<compile_context>
chip_gen: v7x
topology: tpu7x:2x2x1
jax: 0.10.2.dev20260603
libtpu: 0.0.44.dev20260713+nightly
codegen_flags: <defaults>
</compile_context>

<pallas_src>
import jax
import jax.numpy as jnp
from jax.experimental import pallas as pl
from jax.experimental.pallas import tpu as pltpu
from jax.experimental.pallas import tpu_sc as plsc

_UNITS = 32
_L = 4096


def kernel(x, pe, position_ids):
    batch, seq_len, d_model = x.shape
    n_pe = seq_len * d_model
    xf = x.reshape(batch * n_pe)
    pef = pe[:seq_len].reshape(n_pe)

    pe_blocks = n_pe // _L
    chunks_per_unit = pe_blocks // _UNITS
    inner = chunks_per_unit * batch

    def x_index(i, j):
        return (i * inner + j,)

    def pe_index(i, j):
        return ((i * inner + j) % pe_blocks,)

    mesh = plsc.VectorSubcoreMesh(
        core_axis_name="core", subcore_axis_name="subcore"
    )

    @pl.kernel(out_type=jax.ShapeDtypeStruct(xf.shape, x.dtype), mesh=mesh)
    def sc_add(x_hbm, pe_hbm, o_hbm):
        def body(x_vmem, pe_vmem, o_vmem):
            @plsc.parallel_loop(0, _L, step=16, unroll=4)
            def _(i):
                sl = pl.ds(i, 16)
                o_vmem[sl] = x_vmem[sl] + pe_vmem[sl]

        pltpu.emit_pipeline(
            body,
            grid=(_UNITS, inner),
            in_specs=[
                pl.BlockSpec((_L,), index_map=x_index),
                pl.BlockSpec((_L,), index_map=pe_index),
            ],
            out_specs=[pl.BlockSpec((_L,), index_map=x_index)],
            core_axis_name=("core", "subcore"),
            dimension_semantics=(pltpu.PARALLEL, pltpu.ARBITRARY),
        )(x_hbm, pe_hbm, o_hbm)

    return sc_add(xf, pef).reshape(x.shape)

# --- scband reference (transcript-rebuilt; emitter-appended) ---
"""Pipeline reference for scband-positional-encoding-90426241450796 (READ-ONLY COPY).

The authoritative reference and input builder live on the scoring server;
editing this copy changes nothing except your own understanding.
"""

import jax, jax.numpy as jnp
import numpy as np

D_MODEL = 1024
MAX_LEN = 8192
BATCH = 4
SEQ_LEN = 8192

def setup_inputs(seed: int = 0) -> dict:
    key = jax.random.key(seed)
    k1, k2 = jax.random.split(key)
    x = jax.random.normal(k1, (BATCH, SEQ_LEN, D_MODEL), dtype=jnp.float32)
    # learned positional embedding table (nn.Embedding weight), default init ~ N(0,1)
    pe = jax.random.normal(k2, (MAX_LEN, D_MODEL), dtype=jnp.float32)
    position_ids = jnp.arange(MAX_LEN, dtype=jnp.int64 if jax.config.jax_enable_x64 else jnp.int32)
    return {"x": x, "pe": pe, "position_ids": position_ids}

def reference(x, pe, position_ids):
    # is_sinusoidal=False branch:
    #   position_ids = self.position_ids[:x.size(1)]
    #   return x + self.pe(position_ids).unsqueeze(0)
    seq_len = x.shape[1]
    pos = position_ids[:seq_len]
    pos_emb = jnp.take(pe, pos, axis=0)  # embedding lookup -> [seq_len, d_model]
    return x + pos_emb[None, :, :]

if __name__ == "__main__":
    import jax
    _d = setup_inputs()
    print(jax.jit(kernel)(*tuple(_d.values())))

</pallas_src>

<mosaic_0001>
#map = affine_map<(d0, d1) -> (0)>
module attributes {stable_mosaic.version = 14 : i64} {
  func.func @sc_add(%arg0: i32, %arg1: i32, %arg2: memref<33554432xf32, #tpu.memory_space<hbm>>, %arg3: memref<8388608xf32, #tpu.memory_space<hbm>>, %arg4: memref<33554432xf32, #tpu.memory_space<hbm>>) attributes {dimension_semantics = [#tpu.dimension_semantics<core_parallel>, #tpu.dimension_semantics<subcore_parallel>], iteration_bounds = array<i64: 2, 16>, scalar_prefetch = 0 : i64, scratch_operands = 0 : i64, tpu.core_type = #tpu.core_type<sc_vector_subcore>, window_params = [{transform_indices = #map}, {transform_indices = #map}, {transform_indices = #map}]} {
    %mul3A = arith.constant 1 : i32
    %mul3A_0 = arith.muli %arg1, %mul3A : i32
    %add3A = arith.constant 0 : i32
    %add3A_1 = arith.addi %add3A, %mul3A_0 : i32
    %mul3A_2 = arith.constant 16 : i32
    %mul3A_3 = arith.muli %arg0, %mul3A_2 : i32
    %add3A_4 = arith.addi %add3A_1, %mul3A_3 : i32
    %mul3A_5 = arith.constant 1 : i32
    %mul3A_6 = arith.muli %add3A_4, %mul3A_5 : i32
    "tpu.region"() ({
      %run_scoped3A = memref.alloca() : memref<8192xf32, #tpu.memory_space<vmem>>
      %run_scoped3A_7 = tpu.sem_alloc : memref<2x!tpu.dma_semaphore, #tpu.memory_space<semaphore_mem>>
      %run_scoped3A_8 = memref.alloca() : memref<8192xf32, #tpu.memory_space<vmem>>
      %run_scoped3A_9 = tpu.sem_alloc : memref<2x!tpu.dma_semaphore, #tpu.memory_space<semaphore_mem>>
      %run_scoped3A_10 = memref.alloca() : memref<8192xf32, #tpu.memory_space<vmem>>
      %run_scoped3A_11 = tpu.sem_alloc : memref<2x!tpu.dma_semaphore, #tpu.memory_space<semaphore_mem>>
      %add3A_12 = arith.constant 0 : i32
      %add3A_13 = arith.addi %add3A_12, %mul3A_6 : i32
      %select_n3A = arith.constant true
      %select_n3A_14 = arith.constant 0 : i32
      %select_n3A_15 = arith.constant -1 : i32
      %select_n3A_16 = arith.select %select_n3A, %select_n3A_15, %select_n3A_14 : i32
      %eq3A = arith.constant -1 : i32
      %eq3A_17 = arith.cmpi eq, %select_n3A_16, %eq3A : i32
      %select_n3A_18 = arith.constant 255 : i32
      %select_n3A_19 = arith.select %eq3A_17, %select_n3A_18, %select_n3A_16 : i32
      %select_n3A_20 = arith.constant 0 : i32
      %select_n3A_21 = arith.constant -1 : i32
      %select_n3A_22 = arith.select %eq3A_17, %select_n3A_21, %select_n3A_20 : i32
      %eq3A_23 = arith.constant -1 : i32
      %eq3A_24 = arith.cmpi eq, %select_n3A_22, %eq3A_23 : i32
      %select_n3A_25 = arith.constant 0 : i32
      %select_n3A_26 = arith.select %eq3A_24, %select_n3A_25, %select_n3A_22 : i32
      %add3A_27 = arith.constant 0 : i32
      %add3A_28 = arith.addi %add3A_27, %mul3A_6 : i32
      %add3A_29 = arith.constant 0 : i32
      %add3A_30 = arith.addi %select_n3A_19, %add3A_29 : i32
      %select_n3A_31 = arith.constant true
      %select_n3A_32 = arith.constant 0 : i32
      %select_n3A_33 = arith.constant 1 : i32
      %select_n3A_34 = arith.select %select_n3A_31, %select_n3A_33, %select_n3A_32 : i32
      %eq3A_35 = arith.constant 256 : i32
      %eq3A_36 = arith.cmpi eq, %select_n3A_34, %eq3A_35 : i32
      %select_n3A_37 = arith.constant 0 : i32
      %select_n3A_38 = arith.select %eq3A_36, %select_n3A_37, %select_n3A_34 : i32
      %select_n3A_39 = arith.constant 0 : i32
      %select_n3A_40 = arith.constant 1 : i32
      %select_n3A_41 = arith.select %eq3A_36, %select_n3A_40, %select_n3A_39 : i32
      %eq3A_42 = arith.constant 1 : i32
      %eq3A_43 = arith.cmpi eq, %select_n3A_41, %eq3A_42 : i32
      %select_n3A_44 = arith.constant 0 : i32
      %select_n3A_45 = arith.select %eq3A_43, %select_n3A_44, %select_n3A_41 : i32
      %add3A_46 = arith.constant 0 : i32
      %add3A_47 = arith.addi %add3A_46, %mul3A_6 : i32
      %add3A_48 = arith.constant 0 : i32
      %add3A_49 = arith.addi %select_n3A_38, %add3A_48 : i32
      %add3A_50 = arith.constant 1 : i32
      %add3A_51 = arith.addi %select_n3A_38, %add3A_50 : i32
      %select_n3A_52 = arith.constant true
      %select_n3A_53 = arith.select %select_n3A_52, %add3A_51, %select_n3A_38 : i32
      %eq3A_54 = arith.constant 256 : i32
      %eq3A_55 = arith.cmpi eq, %select_n3A_53, %eq3A_54 : i32
      %select_n3A_56 = arith.constant 0 : i32
      %select_n3A_57 = arith.select %eq3A_55, %select_n3A_56, %select_n3A_53 : i32
      %select_n3A_58 = arith.constant 0 : i32
      %select_n3A_59 = arith.constant 1 : i32
      %select_n3A_60 = arith.select %eq3A_55, %select_n3A_59, %select_n3A_58 : i32
      %eq3A_61 = arith.constant 1 : i32
      %eq3A_62 = arith.cmpi eq, %select_n3A_60, %eq3A_61 : i32
      %select_n3A_63 = arith.constant 0 : i32
      %select_n3A_64 = arith.select %eq3A_62, %select_n3A_63, %select_n3A_60 : i32
      %add3A_65 = arith.constant 0 : i32
      %add3A_66 = arith.addi %add3A_65, %mul3A_6 : i32
      %add3A_67 = arith.constant 0 : i32
      %add3A_68 = arith.addi %select_n3A_57, %add3A_67 : i32
      "tpu.trace_start"() <{level = 10 : i32, message = "ep_initialize_0"}> : () -> ()
      %rem3A = arith.constant 0 : i32
      %rem3A_69 = arith.constant 2 : i32
      %rem3A_70 = arith.remui %rem3A, %rem3A_69 : i32
      %mul3A_71 = arith.constant 256 : i32
      %mul3A_72 = arith.muli %add3A_13, %mul3A_71 : i32
      %add3A_73 = arith.constant 0 : i32
      %add3A_74 = arith.addi %mul3A_72, %add3A_73 : i32
      %mul3A_75 = arith.constant 4096 : i32
      %mul3A_76 = arith.muli %mul3A_75, %add3A_74 : i32
      %mul3A_77 = arith.constant 4096 : i32
      %mul3A_78 = arith.muli %rem3A_70, %mul3A_77 : i32
      %add3A_79 = arith.constant 0 : i32
      %add3A_80 = arith.addi %mul3A_78, %add3A_79 : i32
      %dma_start3A = tpu.memref_slice %run_scoped3A[%add3A_80] : memref<8192xf32, #tpu.memory_space<vmem>> -> memref<4096xf32, #tpu.memory_space<vmem>>
      %dma_start3A_81 = tpu.memref_slice %arg2[%mul3A_76] : memref<33554432xf32, #tpu.memory_space<hbm>> -> memref<4096xf32, #tpu.memory_space<hbm>>
      %dma_start3A_82 = tpu.memref_slice %run_scoped3A_7[%rem3A_70] : memref<2x!tpu.dma_semaphore, #tpu.memory_space<semaphore_mem>> -> memref<1x!tpu.dma_semaphore, #tpu.memory_space<semaphore_mem>>
      %dma_start3A_83 = tpu.memref_squeeze %dma_start3A_82 : memref<1x!tpu.dma_semaphore, #tpu.memory_space<semaphore_mem>> -> memref<!tpu.dma_semaphore, #tpu.memory_space<semaphore_mem>>
      %dma_start3A_84 = tpu.memref_slice %run_scoped3A[%add3A_80] : memref<8192xf32, #tpu.memory_space<vmem>> -> memref<4096xf32, #tpu.memory_space<vmem>>
      %dma_start3A_85 = tpu.memref_slice %arg2[%mul3A_76] : memref<33554432xf32, #tpu.memory_space<hbm>> -> memref<4096xf32, #tpu.memory_space<hbm>>
      tpu.enqueue_dma source(%dma_start3A_85 : memref<4096xf32, #tpu.memory_space<hbm>>) target(%dma_start3A_84 : memref<4096xf32, #tpu.memory_space<vmem>>) target_semaphore(%dma_start3A_83 : memref<!tpu.dma_semaphore, #tpu.memory_space<semaphore_mem>>)
      %add3A_86 = arith.constant 0 : i32
      %add3A_87 = arith.constant 1 : i32
      %add3A_88 = arith.addi %add3A_86, %add3A_87 : i32
      %select_n3A_89 = arith.constant true
      %select_n3A_90 = arith.constant 0 : i32
      %select_n3A_91 = arith.select %select_n3A_89, %add3A_88, %select_n3A_90 : i32
      %rem3A_92 = arith.constant 0 : i32
      %rem3A_93 = arith.constant 2 : i32
      %rem3A_94 = arith.remui %rem3A_92, %rem3A_93 : i32
      %mul3A_95 = arith.constant 256 : i32
      %mul3A_96 = arith.muli %add3A_13, %mul3A_95 : i32
      %add3A_97 = arith.constant 0 : i32
      %add3A_98 = arith.addi %mul3A_96, %add3A_97 : i32
      %jit3A = arith.constant 2048 : i32
      %eq3A_99 = arith.constant 0 : i32
      %eq3A_100 = arith.cmpi eq, %jit3A, %eq3A_99 : i32
      %jit3A_101 = arith.constant 1 : i32
      %select_n3A_102 = arith.select %eq3A_100, %jit3A_101, %jit3A : i32
      %rem3A_103 = arith.remsi %add3A_98, %select_n3A_102 : i32
      %ne3A = arith.constant 0 : i32
      %ne3A_104 = arith.cmpi ne, %rem3A_103, %ne3A : i32
      %lt3A = arith.constant 0 : i32
      %lt3A_105 = arith.cmpi slt, %rem3A_103, %lt3A : i32
      %lt3A_106 = arith.constant 0 : i32
      %lt3A_107 = arith.cmpi slt, %select_n3A_102, %lt3A_106 : i32
      %ne3A_108 = arith.xori %lt3A_105, %lt3A_107 : i1
      %and3A = arith.andi %ne3A_108, %ne3A_104 : i1
      %add3A_109 = arith.addi %rem3A_103, %select_n3A_102 : i32
      %select_n3A_110 = arith.select %and3A, %add3A_109, %rem3A_103 : i32
      %mul3A_111 = arith.constant 4096 : i32
      %mul3A_112 = arith.muli %mul3A_111, %select_n3A_110 : i32
      %mul3A_113 = arith.constant 4096 : i32
      %mul3A_114 = arith.muli %rem3A_94, %mul3A_113 : i32
      %add3A_115 = arith.constant 0 : i32
      %add3A_116 = arith.addi %mul3A_114, %add3A_115 : i32
      %dma_start3A_117 = tpu.memref_slice %run_scoped3A_8[%add3A_116] : memref<8192xf32, #tpu.memory_space<vmem>> -> memref<4096xf32, #tpu.memory_space<vmem>>
      %dma_start3A_118 = tpu.memref_slice %arg3[%mul3A_112] : memref<8388608xf32, #tpu.memory_space<hbm>> -> memref<4096xf32, #tpu.memory_space<hbm>>
      %dma_start3A_119 = tpu.memref_slice %run_scoped3A_9[%rem3A_94] : memref<2x!tpu.dma_semaphore, #tpu.memory_space<semaphore_mem>> -> memref<1x!tpu.dma_semaphore, #tpu.memory_space<semaphore_mem>>
      %dma_start3A_120 = tpu.memref_squeeze %dma_start3A_119 : memref<1x!tpu.dma_semaphore, #tpu.memory_space<semaphore_mem>> -> memref<!tpu.dma_semaphore, #tpu.memory_space<semaphore_mem>>
      %dma_start3A_121 = tpu.memref_slice %run_scoped3A_8[%add3A_116] : memref<8192xf32, #tpu.memory_space<vmem>> -> memref<4096xf32, #tpu.memory_space<vmem>>
      %dma_start3A_122 = tpu.memref_slice %arg3[%mul3A_112] : memref<8388608xf32, #tpu.memory_space<hbm>> -> memref<4096xf32, #tpu.memory_space<hbm>>
      tpu.enqueue_dma source(%dma_start3A_122 : memref<4096xf32, #tpu.memory_space<hbm>>) target(%dma_start3A_121 : memref<4096xf32, #tpu.memory_space<vmem>>) target_semaphore(%dma_start3A_120 : memref<!tpu.dma_semaphore, #tpu.memory_space<semaphore_mem>>)
      %add3A_123 = arith.constant 0 : i32
      %add3A_124 = arith.constant 1 : i32
      %add3A_125 = arith.addi %add3A_123, %add3A_124 : i32
      %select_n3A_126 = arith.constant true
      %select_n3A_127 = arith.constant 0 : i32
      %select_n3A_128 = arith.select %select_n3A_126, %add3A_125, %select_n3A_127 : i32
      "tpu.trace_stop"() : () -> ()
      %scan3A = arith.constant 0 : i32
      %scan3A_129 = arith.constant 0 : i32
      %scan3A_130 = arith.constant 0 : i32
      %scan3A_131 = arith.constant 0 : i32
      %scan3A_132 = arith.constant 0 : i32
      %scan3A_133 = arith.constant 0 : i32
      %scan3A_134 = arith.constant 0 : i32
      %scan3A_135 = arith.constant 256 : i32
      %scan3A_136 = arith.addi %scan3A_134, %scan3A_135 : i32
      %scan3A_137 = arith.constant 1 : i32
      %scan3A_138:8 = scf.for %scan3A_231 = %scan3A_134 to %scan3A_136 step %scan3A_137 iter_args(%scan3A_232 = %select_n3A_91, %scan3A_233 = %scan3A, %scan3A_234 = %select_n3A_128, %scan3A_235 = %scan3A_129, %scan3A_236 = %scan3A_130, %scan3A_237 = %scan3A_131, %scan3A_238 = %scan3A_132, %scan3A_239 = %scan3A_133) -> (i32, i32, i32, i32, i32, i32, i32, i32)  : i32 {
        %eq3A_240 = arith.constant 0 : i32
        %eq3A_241 = arith.cmpi eq, %scan3A_231, %eq3A_240 : i32
        %eq3A_242 = arith.constant 255 : i32
        %eq3A_243 = arith.cmpi eq, %scan3A_231, %eq3A_242 : i32
        %add3A_244 = arith.constant 0 : i32
        %add3A_245 = arith.addi %add3A_244, %mul3A_6 : i32
        %add3A_246 = arith.constant 0 : i32
        %add3A_247 = arith.addi %scan3A_239, %add3A_246 : i32
        %sub3A_248 = arith.constant 1 : i32
        %sub3A_249 = arith.subi %scan3A_239, %sub3A_248 : i32
        %select_n3A_250 = arith.constant true
        %select_n3A_251 = arith.select %select_n3A_250, %sub3A_249, %scan3A_239 : i32
        %eq3A_252 = arith.constant -1 : i32
        %eq3A_253 = arith.cmpi eq, %select_n3A_251, %eq3A_252 : i32
        %select_n3A_254 = arith.constant 255 : i32
        %select_n3A_255 = arith.select %eq3A_253, %select_n3A_254, %select_n3A_251 : i32
        %select_n3A_256 = arith.constant 0 : i32
        %select_n3A_257 = arith.constant -1 : i32
        %select_n3A_258 = arith.select %eq3A_253, %select_n3A_257, %select_n3A_256 : i32
        %eq3A_259 = arith.constant -1 : i32
        %eq3A_260 = arith.cmpi eq, %select_n3A_258, %eq3A_259 : i32
        %select_n3A_261 = arith.constant 0 : i32
        %select_n3A_262 = arith.select %eq3A_260, %select_n3A_261, %select_n3A_258 : i32
        %add3A_263 = arith.constant 0 : i32
        %add3A_264 = arith.addi %add3A_263, %mul3A_6 : i32
        %add3A_265 = arith.constant 0 : i32
        %add3A_266 = arith.addi %select_n3A_255, %add3A_265 : i32
        %add3A_267 = arith.constant 1 : i32
        %add3A_268 = arith.addi %scan3A_239, %add3A_267 : i32
        %select_n3A_269 = arith.constant true
        %select_n3A_270 = arith.select %select_n3A_269, %add3A_268, %scan3A_239 : i32
        %eq3A_271 = arith.constant 256 : i32
        %eq3A_272 = arith.cmpi eq, %select_n3A_270, %eq3A_271 : i32
        %select_n3A_273 = arith.constant 0 : i32
        %select_n3A_274 = arith.select %eq3A_272, %select_n3A_273, %select_n3A_270 : i32
        %select_n3A_275 = arith.constant 0 : i32
        %select_n3A_276 = arith.constant 1 : i32
        %select_n3A_277 = arith.select %eq3A_272, %select_n3A_276, %select_n3A_275 : i32
        %eq3A_278 = arith.constant 1 : i32
        %eq3A_279 = arith.cmpi eq, %select_n3A_277, %eq3A_278 : i32
        %select_n3A_280 = arith.constant 0 : i32
        %select_n3A_281 = arith.select %eq3A_279, %select_n3A_280, %select_n3A_277 : i32
        %add3A_282 = arith.constant 0 : i32
        %add3A_283 = arith.addi %add3A_282, %mul3A_6 : i32
        %add3A_284 = arith.constant 0 : i32
        %add3A_285 = arith.addi %select_n3A_274, %add3A_284 : i32
        %add3A_286 = arith.constant 1 : i32
        %add3A_287 = arith.addi %select_n3A_274, %add3A_286 : i32
        %select_n3A_288 = arith.constant true
        %select_n3A_289 = arith.select %select_n3A_288, %add3A_287, %select_n3A_274 : i32
        %eq3A_290 = arith.constant 256 : i32
        %eq3A_291 = arith.cmpi eq, %select_n3A_289, %eq3A_290 : i32
        %select_n3A_292 = arith.constant 0 : i32
        %select_n3A_293 = arith.select %eq3A_291, %select_n3A_292, %select_n3A_289 : i32
        %select_n3A_294 = arith.constant 0 : i32
        %select_n3A_295 = arith.constant 1 : i32
        %select_n3A_296 = arith.select %eq3A_291, %select_n3A_295, %select_n3A_294 : i32
        %eq3A_297 = arith.constant 1 : i32
        %eq3A_298 = arith.cmpi eq, %select_n3A_296, %eq3A_297 : i32
        %select_n3A_299 = arith.constant 0 : i32
        %select_n3A_300 = arith.select %eq3A_298, %select_n3A_299, %select_n3A_296 : i32
        %add3A_301 = arith.constant 0 : i32
        %add3A_302 = arith.addi %add3A_301, %mul3A_6 : i32
        %add3A_303 = arith.constant 0 : i32
        %add3A_304 = arith.addi %select_n3A_293, %add3A_303 : i32
        %mul3A_305 = arith.constant 256 : i32
        %mul3A_306 = arith.muli %add3A_245, %mul3A_305 : i32
        %add3A_307 = arith.addi %mul3A_306, %add3A_247 : i32
        %mul3A_308 = arith.constant 256 : i32
        %mul3A_309 = arith.muli %add3A_283, %mul3A_308 : i32
        %add3A_310 = arith.addi %mul3A_309, %add3A_285 : i32
        %ne3A_311 = arith.cmpi ne, %add3A_307, %add3A_310 : i32
        %or3A = arith.constant false
        %or3A_312 = arith.ori %or3A, %ne3A_311 : i1
        %ge3A = arith.constant 255 : i32
        %ge3A_313 = arith.cmpi sge, %scan3A_231, %ge3A : i32
        %not3A = arith.constant true
        %not3A_314 = arith.xori %ge3A_313, %not3A : i1
        %and3A_315 = arith.andi %or3A_312, %not3A_314 : i1
        %convert_element_type3A = arith.extui %and3A_315 : i1 to i32
        %cond3A = arith.constant 0 : i32
        %cond3A_316 = arith.cmpi ne, %convert_element_type3A, %cond3A : i32
        scf.if %cond3A_316 {
          "tpu.trace_start"() <{level = 10 : i32, message = "ep_copy_in"}> : () -> ()
          %rem3A_715 = arith.constant 2 : i32
          %rem3A_716 = arith.remui %scan3A_232, %rem3A_715 : i32
          %mul3A_717 = arith.constant 256 : i32
          %mul3A_718 = arith.muli %add3A_283, %mul3A_717 : i32
          %add3A_719 = arith.addi %mul3A_718, %add3A_285 : i32
          %mul3A_720 = arith.constant 4096 : i32
          %mul3A_721 = arith.muli %mul3A_720, %add3A_719 : i32
          %mul3A_722 = arith.constant 4096 : i32
          %mul3A_723 = arith.muli %rem3A_716, %mul3A_722 : i32
          %add3A_724 = arith.constant 0 : i32
          %add3A_725 = arith.addi %mul3A_723, %add3A_724 : i32
          %dma_start3A_726 = tpu.memref_slice %run_scoped3A[%add3A_725] : memref<8192xf32, #tpu.memory_space<vmem>> -> memref<4096xf32, #tpu.memory_space<vmem>>
          %dma_start3A_727 = tpu.memref_slice %arg2[%mul3A_721] : memref<33554432xf32, #tpu.memory_space<hbm>> -> memref<4096xf32, #tpu.memory_space<hbm>>
          %dma_start3A_728 = tpu.memref_slice %run_scoped3A_7[%rem3A_716] : memref<2x!tpu.dma_semaphore, #tpu.memory_space<semaphore_mem>> -> memref<1x!tpu.dma_semaphore, #tpu.memory_space<semaphore_mem>>
          %dma_start3A_729 = tpu.memref_squeeze %dma_start3A_728 : memref<1x!tpu.dma_semaphore, #tpu.memory_space<semaphore_mem>> -> memref<!tpu.dma_semaphore, #tpu.memory_space<semaphore_mem>>
          %dma_start3A_730 = tpu.memref_slice %run_scoped3A[%add3A_725] : memref<8192xf32, #tpu.memory_space<vmem>> -> memref<4096xf32, #tpu.memory_space<vmem>>
          %dma_start3A_731 = tpu.memref_slice %arg2[%mul3A_721] : memref<33554432xf32, #tpu.memory_space<hbm>> -> memref<4096xf32, #tpu.memory_space<hbm>>
          tpu.enqueue_dma source(%dma_start3A_731 : memref<4096xf32, #tpu.memory_space<hbm>>) target(%dma_start3A_730 : memref<4096xf32, #tpu.memory_space<vmem>>) target_semaphore(%dma_start3A_729 : memref<!tpu.dma_semaphore, #tpu.memory_space<semaphore_mem>>)
          "tpu.trace_stop"() : () -> ()
        } else {
        }
        %and3A_317 = arith.constant true
        %and3A_318 = arith.andi %and3A_315, %and3A_317 : i1
        %add3A_319 = arith.constant 1 : i32
        %add3A_320 = arith.addi %scan3A_232, %add3A_319 : i32
        %select_n3A_321 = arith.select %and3A_318, %add3A_320, %scan3A_232 : i32
        %mul3A_322 = arith.constant 256 : i32
        %mul3A_323 = arith.muli %add3A_245, %mul3A_322 : i32
        %add3A_324 = arith.addi %mul3A_323, %add3A_247 : i32
        %jit3A_325 = arith.constant 2048 : i32
        %eq3A_326 = arith.constant 0 : i32
        %eq3A_327 = arith.cmpi eq, %jit3A_325, %eq3A_326 : i32
        %jit3A_328 = arith.constant 1 : i32
        %select_n3A_329 = arith.select %eq3A_327, %jit3A_328, %jit3A_325 : i32
        %rem3A_330 = arith.remsi %add3A_324, %select_n3A_329 : i32
        %ne3A_331 = arith.constant 0 : i32
        %ne3A_332 = arith.cmpi ne, %rem3A_330, %ne3A_331 : i32
        %lt3A_333 = arith.constant 0 : i32
        %lt3A_334 = arith.cmpi slt, %rem3A_330, %lt3A_333 : i32
        %lt3A_335 = arith.constant 0 : i32
        %lt3A_336 = arith.cmpi slt, %select_n3A_329, %lt3A_335 : i32
        %ne3A_337 = arith.xori %lt3A_334, %lt3A_336 : i1
        %and3A_338 = arith.andi %ne3A_337, %ne3A_332 : i1
        %add3A_339 = arith.addi %rem3A_330, %select_n3A_329 : i32
        %select_n3A_340 = arith.select %and3A_338, %add3A_339, %rem3A_330 : i32
        %mul3A_341 = arith.constant 256 : i32
        %mul3A_342 = arith.muli %add3A_283, %mul3A_341 : i32
        %add3A_343 = arith.addi %mul3A_342, %add3A_285 : i32
        %jit3A_344 = arith.constant 2048 : i32
        %eq3A_345 = arith.constant 0 : i32
        %eq3A_346 = arith.cmpi eq, %jit3A_344, %eq3A_345 : i32
        %jit3A_347 = arith.constant 1 : i32
        %select_n3A_348 = arith.select %eq3A_346, %jit3A_347, %jit3A_344 : i32
        %rem3A_349 = arith.remsi %add3A_343, %select_n3A_348 : i32
        %ne3A_350 = arith.constant 0 : i32
        %ne3A_351 = arith.cmpi ne, %rem3A_349, %ne3A_350 : i32
        %lt3A_352 = arith.constant 0 : i32
        %lt3A_353 = arith.cmpi slt, %rem3A_349, %lt3A_352 : i32
        %lt3A_354 = arith.constant 0 : i32
        %lt3A_355 = arith.cmpi slt, %select_n3A_348, %lt3A_354 : i32
        %ne3A_356 = arith.xori %lt3A_353, %lt3A_355 : i1
        %and3A_357 = arith.andi %ne3A_356, %ne3A_351 : i1
        %add3A_358 = arith.addi %rem3A_349, %select_n3A_348 : i32
        %select_n3A_359 = arith.select %and3A_357, %add3A_358, %rem3A_349 : i32
        %ne3A_360 = arith.cmpi ne, %select_n3A_340, %select_n3A_359 : i32
        %or3A_361 = arith.constant false
        %or3A_362 = arith.ori %or3A_361, %ne3A_360 : i1
        %ge3A_363 = arith.constant 255 : i32
        %ge3A_364 = arith.cmpi sge, %scan3A_231, %ge3A_363 : i32
        %not3A_365 = arith.constant true
        %not3A_366 = arith.xori %ge3A_364, %not3A_365 : i1
        %and3A_367 = arith.andi %or3A_362, %not3A_366 : i1
        %convert_element_type3A_368 = arith.extui %and3A_367 : i1 to i32
        %cond3A_369 = arith.constant 0 : i32
        %cond3A_370 = arith.cmpi ne, %convert_element_type3A_368, %cond3A_369 : i32
        scf.if %cond3A_370 {
          "tpu.trace_start"() <{level = 10 : i32, message = "ep_copy_in"}> : () -> ()
          %rem3A_715 = arith.constant 2 : i32
          %rem3A_716 = arith.remui %scan3A_234, %rem3A_715 : i32
          %mul3A_717 = arith.constant 256 : i32
          %mul3A_718 = arith.muli %add3A_283, %mul3A_717 : i32
          %add3A_719 = arith.addi %mul3A_718, %add3A_285 : i32
          %jit3A_720 = arith.constant 2048 : i32
          %eq3A_721 = arith.constant 0 : i32
          %eq3A_722 = arith.cmpi eq, %jit3A_720, %eq3A_721 : i32
          %jit3A_723 = arith.constant 1 : i32
          %select_n3A_724 = arith.select %eq3A_722, %jit3A_723, %jit3A_720 : i32
          %rem3A_725 = arith.remsi %add3A_719, %select_n3A_724 : i32
          %ne3A_726 = arith.constant 0 : i32
          %ne3A_727 = arith.cmpi ne, %rem3A_725, %ne3A_726 : i32
          %lt3A_728 = arith.constant 0 : i32
          %lt3A_729 = arith.cmpi slt, %rem3A_725, %lt3A_728 : i32
          %lt3A_730 = arith.constant 0 : i32
          %lt3A_731 = arith.cmpi slt, %select_n3A_724, %lt3A_730 : i32
          %ne3A_732 = arith.xori %lt3A_729, %lt3A_731 : i1
          %and3A_733 = arith.andi %ne3A_732, %ne3A_727 : i1
          %add3A_734 = arith.addi %rem3A_725, %select_n3A_724 : i32
          %select_n3A_735 = arith.select %and3A_733, %add3A_734, %rem3A_725 : i32
          %mul3A_736 = arith.constant 4096 : i32
          %mul3A_737 = arith.muli %mul3A_736, %select_n3A_735 : i32
          %mul3A_738 = arith.constant 4096 : i32
          %mul3A_739 = arith.muli %rem3A_716, %mul3A_738 : i32
          %add3A_740 = arith.constant 0 : i32
          %add3A_741 = arith.addi %mul3A_739, %add3A_740 : i32
          %dma_start3A_742 = tpu.memref_slice %run_scoped3A_8[%add3A_741] : memref<8192xf32, #tpu.memory_space<vmem>> -> memref<4096xf32, #tpu.memory_space<vmem>>
          %dma_start3A_743 = tpu.memref_slice %arg3[%mul3A_737] : memref<8388608xf32, #tpu.memory_space<hbm>> -> memref<4096xf32, #tpu.memory_space<hbm>>
          %dma_start3A_744 = tpu.memref_slice %run_scoped3A_9[%rem3A_716] : memref<2x!tpu.dma_semaphore, #tpu.memory_space<semaphore_mem>> -> memref<1x!tpu.dma_semaphore, #tpu.memory_space<semaphore_mem>>
          %dma_start3A_745 = tpu.memref_squeeze %dma_start3A_744 : memref<1x!tpu.dma_semaphore, #tpu.memory_space<semaphore_mem>> -> memref<!tpu.dma_semaphore, #tpu.memory_space<semaphore_mem>>
          %dma_start3A_746 = tpu.memref_slice %run_scoped3A_8[%add3A_741] : memref<8192xf32, #tpu.memory_space<vmem>> -> memref<4096xf32, #tpu.memory_space<vmem>>
          %dma_start3A_747 = tpu.memref_slice %arg3[%mul3A_737] : memref<8388608xf32, #tpu.memory_space<hbm>> -> memref<4096xf32, #tpu.memory_space<hbm>>
          tpu.enqueue_dma source(%dma_start3A_747 : memref<4096xf32, #tpu.memory_space<hbm>>) target(%dma_start3A_746 : memref<4096xf32, #tpu.memory_space<vmem>>) target_semaphore(%dma_start3A_745 : memref<!tpu.dma_semaphore, #tpu.memory_space<semaphore_mem>>)
          "tpu.trace_stop"() : () -> ()
        } else {
        }
        %and3A_371 = arith.constant true
        %and3A_372 = arith.andi %and3A_367, %and3A_371 : i1
        %add3A_373 = arith.constant 1 : i32
        %add3A_374 = arith.addi %scan3A_234, %add3A_373 : i32
        %select_n3A_375 = arith.select %and3A_372, %add3A_374, %scan3A_234 : i32
        %mul3A_376 = arith.constant 256 : i32
        %mul3A_377 = arith.muli %add3A_245, %mul3A_376 : i32
        %add3A_378 = arith.addi %mul3A_377, %add3A_247 : i32
        %mul3A_379 = arith.constant 256 : i32
        %mul3A_380 = arith.muli %add3A_283, %mul3A_379 : i32
        %add3A_381 = arith.addi %mul3A_380, %add3A_285 : i32
        %ne3A_382 = arith.cmpi ne, %add3A_378, %add3A_381 : i32
        %or3A_383 = arith.constant false
        %or3A_384 = arith.ori %or3A_383, %ne3A_382 : i1
        %ge3A_385 = arith.constant 255 : i32
        %ge3A_386 = arith.cmpi sge, %scan3A_231, %ge3A_385 : i32
        %not3A_387 = arith.constant true
        %not3A_388 = arith.xori %ge3A_386, %not3A_387 : i1
        %and3A_389 = arith.andi %or3A_384, %not3A_388 : i1
        %mul3A_390 = arith.constant 256 : i32
        %mul3A_391 = arith.muli %add3A_245, %mul3A_390 : i32
        %add3A_392 = arith.addi %mul3A_391, %add3A_247 : i32
        %mul3A_393 = arith.constant 256 : i32
        %mul3A_394 = arith.muli %add3A_264, %mul3A_393 : i32
        %add3A_395 = arith.addi %mul3A_394, %add3A_266 : i32
        %ne3A_396 = arith.cmpi ne, %add3A_392, %add3A_395 : i32
        %or3A_397 = arith.constant false
        %or3A_398 = arith.ori %or3A_397, %ne3A_396 : i1
        %or3A_399 = arith.ori %or3A_398, %eq3A_241 : i1
        %convert_element_type3A_400 = arith.extui %or3A_399 : i1 to i32
        %cond3A_401 = arith.constant 0 : i32
        %cond3A_402 = arith.cmpi ne, %convert_element_type3A_400, %cond3A_401 : i32
        scf.if %cond3A_402 {
          "tpu.trace_start"() <{level = 10 : i32, message = "ep_wait_in"}> : () -> ()
          %mul3A_715 = arith.constant 256 : i32
          %mul3A_716 = arith.muli %add3A_245, %mul3A_715 : i32
          %add3A_717 = arith.addi %mul3A_716, %add3A_247 : i32
          %mul3A_718 = arith.constant 4096 : i32
          %mul3A_719 = arith.muli %mul3A_718, %add3A_717 : i32
          %rem3A_720 = arith.constant 2 : i32
          %rem3A_721 = arith.remui %scan3A_233, %rem3A_720 : i32
          %mul3A_722 = arith.constant 4096 : i32
          %mul3A_723 = arith.muli %rem3A_721, %mul3A_722 : i32
          %add3A_724 = arith.constant 0 : i32
          %add3A_725 = arith.addi %mul3A_723, %add3A_724 : i32
          %dma_wait3A_726 = tpu.memref_slice %run_scoped3A[%add3A_725] : memref<8192xf32, #tpu.memory_space<vmem>> -> memref<4096xf32, #tpu.memory_space<vmem>>
          %dma_wait3A_727 = tpu.memref_slice %arg2[%mul3A_719] : memref<33554432xf32, #tpu.memory_space<hbm>> -> memref<4096xf32, #tpu.memory_space<hbm>>
          %dma_wait3A_728 = tpu.memref_slice %run_scoped3A_7[%rem3A_721] : memref<2x!tpu.dma_semaphore, #tpu.memory_space<semaphore_mem>> -> memref<1x!tpu.dma_semaphore, #tpu.memory_space<semaphore_mem>>
          %dma_wait3A_729 = tpu.memref_squeeze %dma_wait3A_728 : memref<1x!tpu.dma_semaphore, #tpu.memory_space<semaphore_mem>> -> memref<!tpu.dma_semaphore, #tpu.memory_space<semaphore_mem>>
          %dma_wait3A_730 = tpu.memref_slice %run_scoped3A[%add3A_725] : memref<8192xf32, #tpu.memory_space<vmem>> -> memref<4096xf32, #tpu.memory_space<vmem>>
          %dma_wait3A_731 = tpu.memref_slice %arg2[%mul3A_719] : memref<33554432xf32, #tpu.memory_space<hbm>> -> memref<4096xf32, #tpu.memory_space<hbm>>
          tpu.wait_dma2 semaphore(%dma_wait3A_729 : memref<!tpu.dma_semaphore, #tpu.memory_space<semaphore_mem>>) src(%dma_wait3A_731 : memref<4096xf32, #tpu.memory_space<hbm>>) dst(%dma_wait3A_730 : memref<4096xf32, #tpu.memory_space<vmem>>)
          "tpu.trace_stop"() : () -> ()
        } else {
        }
        %mul3A_403 = arith.constant 256 : i32
        %mul3A_404 = arith.muli %add3A_245, %mul3A_403 : i32
        %add3A_405 = arith.addi %mul3A_404, %add3A_247 : i32
        %jit3A_406 = arith.constant 2048 : i32
        %eq3A_407 = arith.constant 0 : i32
        %eq3A_408 = arith.cmpi eq, %jit3A_406, %eq3A_407 : i32
        %jit3A_409 = arith.constant 1 : i32
        %select_n3A_410 = arith.select %eq3A_408, %jit3A_409, %jit3A_406 : i32
        %rem3A_411 = arith.remsi %add3A_405, %select_n3A_410 : i32
        %ne3A_412 = arith.constant 0 : i32
        %ne3A_413 = arith.cmpi ne, %rem3A_411, %ne3A_412 : i32
        %lt3A_414 = arith.constant 0 : i32
        %lt3A_415 = arith.cmpi slt, %rem3A_411, %lt3A_414 : i32
        %lt3A_416 = arith.constant 0 : i32
        %lt3A_417 = arith.cmpi slt, %select_n3A_410, %lt3A_416 : i32
        %ne3A_418 = arith.xori %lt3A_415, %lt3A_417 : i1
        %and3A_419 = arith.andi %ne3A_418, %ne3A_413 : i1
        %add3A_420 = arith.addi %rem3A_411, %select_n3A_410 : i32
        %select_n3A_421 = arith.select %and3A_419, %add3A_420, %rem3A_411 : i32
        %mul3A_422 = arith.constant 256 : i32
        %mul3A_423 = arith.muli %add3A_264, %mul3A_422 : i32
        %add3A_424 = arith.addi %mul3A_423, %add3A_266 : i32
        %jit3A_425 = arith.constant 2048 : i32
        %eq3A_426 = arith.constant 0 : i32
        %eq3A_427 = arith.cmpi eq, %jit3A_425, %eq3A_426 : i32
        %jit3A_428 = arith.constant 1 : i32
        %select_n3A_429 = arith.select %eq3A_427, %jit3A_428, %jit3A_425 : i32
        %rem3A_430 = arith.remsi %add3A_424, %select_n3A_429 : i32
        %ne3A_431 = arith.constant 0 : i32
        %ne3A_432 = arith.cmpi ne, %rem3A_430, %ne3A_431 : i32
        %lt3A_433 = arith.constant 0 : i32
        %lt3A_434 = arith.cmpi slt, %rem3A_430, %lt3A_433 : i32
        %lt3A_435 = arith.constant 0 : i32
        %lt3A_436 = arith.cmpi slt, %select_n3A_429, %lt3A_435 : i32
        %ne3A_437 = arith.xori %lt3A_434, %lt3A_436 : i1
        %and3A_438 = arith.andi %ne3A_437, %ne3A_432 : i1
        %add3A_439 = arith.addi %rem3A_430, %select_n3A_429 : i32
        %select_n3A_440 = arith.select %and3A_438, %add3A_439, %rem3A_430 : i32
        %ne3A_441 = arith.cmpi ne, %select_n3A_421, %select_n3A_440 : i32
        %or3A_442 = arith.constant false
        %or3A_443 = arith.ori %or3A_442, %ne3A_441 : i1
        %or3A_444 = arith.ori %or3A_443, %eq3A_241 : i1
        %convert_element_type3A_445 = arith.extui %or3A_444 : i1 to i32
        %cond3A_446 = arith.constant 0 : i32
        %cond3A_447 = arith.cmpi ne, %convert_element_type3A_445, %cond3A_446 : i32
        scf.if %cond3A_447 {
          "tpu.trace_start"() <{level = 10 : i32, message = "ep_wait_in"}> : () -> ()
          %mul3A_715 = arith.constant 256 : i32
          %mul3A_716 = arith.muli %add3A_245, %mul3A_715 : i32
          %add3A_717 = arith.addi %mul3A_716, %add3A_247 : i32
          %jit3A_718 = arith.constant 2048 : i32
          %eq3A_719 = arith.constant 0 : i32
          %eq3A_720 = arith.cmpi eq, %jit3A_718, %eq3A_719 : i32
          %jit3A_721 = arith.constant 1 : i32
          %select_n3A_722 = arith.select %eq3A_720, %jit3A_721, %jit3A_718 : i32
          %rem3A_723 = arith.remsi %add3A_717, %select_n3A_722 : i32
          %ne3A_724 = arith.constant 0 : i32
          %ne3A_725 = arith.cmpi ne, %rem3A_723, %ne3A_724 : i32
          %lt3A_726 = arith.constant 0 : i32
          %lt3A_727 = arith.cmpi slt, %rem3A_723, %lt3A_726 : i32
          %lt3A_728 = arith.constant 0 : i32
          %lt3A_729 = arith.cmpi slt, %select_n3A_722, %lt3A_728 : i32
          %ne3A_730 = arith.xori %lt3A_727, %lt3A_729 : i1
          %and3A_731 = arith.andi %ne3A_730, %ne3A_725 : i1
          %add3A_732 = arith.addi %rem3A_723, %select_n3A_722 : i32
          %select_n3A_733 = arith.select %and3A_731, %add3A_732, %rem3A_723 : i32
          %mul3A_734 = arith.constant 4096 : i32
          %mul3A_735 = arith.muli %mul3A_734, %select_n3A_733 : i32
          %rem3A_736 = arith.constant 2 : i32
          %rem3A_737 = arith.remui %scan3A_235, %rem3A_736 : i32
          %mul3A_738 = arith.constant 4096 : i32
          %mul3A_739 = arith.muli %rem3A_737, %mul3A_738 : i32
          %add3A_740 = arith.constant 0 : i32
          %add3A_741 = arith.addi %mul3A_739, %add3A_740 : i32
          %dma_wait3A_742 = tpu.memref_slice %run_scoped3A_8[%add3A_741] : memref<8192xf32, #tpu.memory_space<vmem>> -> memref<4096xf32, #tpu.memory_space<vmem>>
          %dma_wait3A_743 = tpu.memref_slice %arg3[%mul3A_735] : memref<8388608xf32, #tpu.memory_space<hbm>> -> memref<4096xf32, #tpu.memory_space<hbm>>
          %dma_wait3A_744 = tpu.memref_slice %run_scoped3A_9[%rem3A_737] : memref<2x!tpu.dma_semaphore, #tpu.memory_space<semaphore_mem>> -> memref<1x!tpu.dma_semaphore, #tpu.memory_space<semaphore_mem>>
          %dma_wait3A_745 = tpu.memref_squeeze %dma_wait3A_744 : memref<1x!tpu.dma_semaphore, #tpu.memory_space<semaphore_mem>> -> memref<!tpu.dma_semaphore, #tpu.memory_space<semaphore_mem>>
          %dma_wait3A_746 = tpu.memref_slice %run_scoped3A_8[%add3A_741] : memref<8192xf32, #tpu.memory_space<vmem>> -> memref<4096xf32, #tpu.memory_space<vmem>>
          %dma_wait3A_747 = tpu.memref_slice %arg3[%mul3A_735] : memref<8388608xf32, #tpu.memory_space<hbm>> -> memref<4096xf32, #tpu.memory_space<hbm>>
          tpu.wait_dma2 semaphore(%dma_wait3A_745 : memref<!tpu.dma_semaphore, #tpu.memory_space<semaphore_mem>>) src(%dma_wait3A_747 : memref<4096xf32, #tpu.memory_space<hbm>>) dst(%dma_wait3A_746 : memref<4096xf32, #tpu.memory_space<vmem>>)
          "tpu.trace_stop"() : () -> ()
        } else {
        }
        %mul3A_448 = arith.constant 256 : i32
        %mul3A_449 = arith.muli %add3A_245, %mul3A_448 : i32
        %add3A_450 = arith.addi %mul3A_449, %add3A_247 : i32
        %mul3A_451 = arith.constant 256 : i32
        %mul3A_452 = arith.muli %add3A_264, %mul3A_451 : i32
        %add3A_453 = arith.addi %mul3A_452, %add3A_266 : i32
        %ne3A_454 = arith.cmpi ne, %add3A_450, %add3A_453 : i32
        %or3A_455 = arith.constant false
        %or3A_456 = arith.ori %or3A_455, %ne3A_454 : i1
        %or3A_457 = arith.ori %or3A_456, %eq3A_241 : i1
        %convert_element_type3A_458 = arith.extui %or3A_457 : i1 to i32
        %cond3A_459 = arith.constant 0 : i32
        %cond3A_460 = arith.cmpi ne, %convert_element_type3A_458, %cond3A_459 : i32
        scf.if %cond3A_460 {
        } else {
        }
        %rem3A_461 = arith.constant 2 : i32
        %rem3A_462 = arith.remui %scan3A_233, %rem3A_461 : i32
        %mul3A_463 = arith.constant 4096 : i32
        %mul3A_464 = arith.muli %rem3A_462, %mul3A_463 : i32
        %rem3A_465 = arith.constant 2 : i32
        %rem3A_466 = arith.remui %scan3A_235, %rem3A_465 : i32
        %mul3A_467 = arith.constant 4096 : i32
        %mul3A_468 = arith.muli %rem3A_466, %mul3A_467 : i32
        %rem3A_469 = arith.constant 2 : i32
        %rem3A_470 = arith.remui %scan3A_236, %rem3A_469 : i32
        %mul3A_471 = arith.constant 4096 : i32
        %mul3A_472 = arith.muli %rem3A_470, %mul3A_471 : i32
        %parallel_loop3A = arith.constant 0 : i32
        %parallel_loop3A_473 = arith.constant 4096 : i32
        %parallel_loop3A_474 = arith.constant 16 : i32
        "tpu.trace_start"() <{level = 10 : i32, message = "ep_run_kernel"}> : () -> ()
        scf.for %parallel_loop3A_715 = %parallel_loop3A to %parallel_loop3A_473 step %parallel_loop3A_474  : i32 {
          %parallel_loop3A_716 = tpu.memref_slice %run_scoped3A[%mul3A_464] : memref<8192xf32, #tpu.memory_space<vmem>> -> memref<4096xf32, #tpu.memory_space<vmem>>
          %parallel_loop3A_717 = arith.index_cast %parallel_loop3A_715 : i32 to index
          %parallel_loop3A_718 = tpu.vector_load %parallel_loop3A_716[%parallel_loop3A_717] {strides = array<i32>} : memref<4096xf32, #tpu.memory_space<vmem>>, vector<16xf32>,
          %parallel_loop3A_719 = vector.shape_cast %parallel_loop3A_718 : vector<16xf32> to vector<16xf32>
          %parallel_loop3A_720 = tpu.memref_slice %run_scoped3A_8[%mul3A_468] : memref<8192xf32, #tpu.memory_space<vmem>> -> memref<4096xf32, #tpu.memory_space<vmem>>
          %parallel_loop3A_721 = arith.index_cast %parallel_loop3A_715 : i32 to index
          %parallel_loop3A_722 = tpu.vector_load %parallel_loop3A_720[%parallel_loop3A_721] {strides = array<i32>} : memref<4096xf32, #tpu.memory_space<vmem>>, vector<16xf32>,
          %parallel_loop3A_723 = vector.shape_cast %parallel_loop3A_722 : vector<16xf32> to vector<16xf32>
          %parallel_loop3A_724 = arith.addf %parallel_loop3A_719, %parallel_loop3A_723 : vector<16xf32>
          %parallel_loop3A_725 = tpu.memref_slice %run_scoped3A_10[%mul3A_472] : memref<8192xf32, #tpu.memory_space<vmem>> -> memref<4096xf32, #tpu.memory_space<vmem>>
          %parallel_loop3A_726 = arith.index_cast %parallel_loop3A_715 : i32 to index
          %parallel_loop3A_727 = tpu.vector_load %parallel_loop3A_725[%parallel_loop3A_726] {strides = array<i32>} : memref<4096xf32, #tpu.memory_space<vmem>>, vector<16xf32>,
          %parallel_loop3A_728 = vector.shape_cast %parallel_loop3A_727 : vector<16xf32> to vector<16xf32>
          %parallel_loop3A_729 = vector.shape_cast %parallel_loop3A_724 : vector<16xf32> to vector<16xf32>
          tpu.vector_store %parallel_loop3A_725[%parallel_loop3A_726], %parallel_loop3A_729 {strides = array<i32>} : memref<4096xf32, #tpu.memory_space<vmem>>, vector<16xf32>,
        } {sc.loop_unroll_factor = 4 : i64, sc.parallel_access}
        "tpu.trace_stop"() : () -> ()
        %mul3A_475 = arith.constant 256 : i32
        %mul3A_476 = arith.muli %add3A_245, %mul3A_475 : i32
        %add3A_477 = arith.addi %mul3A_476, %add3A_247 : i32
        %mul3A_478 = arith.constant 256 : i32
        %mul3A_479 = arith.muli %add3A_283, %mul3A_478 : i32
        %add3A_480 = arith.addi %mul3A_479, %add3A_285 : i32
        %ne3A_481 = arith.cmpi ne, %add3A_477, %add3A_480 : i32
        %or3A_482 = arith.constant false
        %or3A_483 = arith.ori %or3A_482, %ne3A_481 : i1
        %or3A_484 = arith.ori %or3A_483, %eq3A_243 : i1
        %convert_element_type3A_485 = arith.extui %or3A_484 : i1 to i32
        %cond3A_486 = arith.constant 0 : i32
        %cond3A_487 = arith.cmpi ne, %convert_element_type3A_485, %cond3A_486 : i32
        scf.if %cond3A_487 {
        } else {
        }
        %and3A_488 = arith.constant false
        %and3A_489 = arith.andi %or3A_484, %and3A_488 : i1
        %mul3A_490 = arith.constant 256 : i32
        %mul3A_491 = arith.muli %add3A_245, %mul3A_490 : i32
        %add3A_492 = arith.addi %mul3A_491, %add3A_247 : i32
        %jit3A_493 = arith.constant 2048 : i32
        %eq3A_494 = arith.constant 0 : i32
        %eq3A_495 = arith.cmpi eq, %jit3A_493, %eq3A_494 : i32
        %jit3A_496 = arith.constant 1 : i32
        %select_n3A_497 = arith.select %eq3A_495, %jit3A_496, %jit3A_493 : i32
        %rem3A_498 = arith.remsi %add3A_492, %select_n3A_497 : i32
        %ne3A_499 = arith.constant 0 : i32
        %ne3A_500 = arith.cmpi ne, %rem3A_498, %ne3A_499 : i32
        %lt3A_501 = arith.constant 0 : i32
        %lt3A_502 = arith.cmpi slt, %rem3A_498, %lt3A_501 : i32
        %lt3A_503 = arith.constant 0 : i32
        %lt3A_504 = arith.cmpi slt, %select_n3A_497, %lt3A_503 : i32
        %ne3A_505 = arith.xori %lt3A_502, %lt3A_504 : i1
        %and3A_506 = arith.andi %ne3A_505, %ne3A_500 : i1
        %add3A_507 = arith.addi %rem3A_498, %select_n3A_497 : i32
        %select_n3A_508 = arith.select %and3A_506, %add3A_507, %rem3A_498 : i32
        %mul3A_509 = arith.constant 256 : i32
        %mul3A_510 = arith.muli %add3A_283, %mul3A_509 : i32
        %add3A_511 = arith.addi %mul3A_510, %add3A_285 : i32
        %jit3A_512 = arith.constant 2048 : i32
        %eq3A_513 = arith.constant 0 : i32
        %eq3A_514 = arith.cmpi eq, %jit3A_512, %eq3A_513 : i32
        %jit3A_515 = arith.constant 1 : i32
        %select_n3A_516 = arith.select %eq3A_514, %jit3A_515, %jit3A_512 : i32
        %rem3A_517 = arith.remsi %add3A_511, %select_n3A_516 : i32
        %ne3A_518 = arith.constant 0 : i32
        %ne3A_519 = arith.cmpi ne, %rem3A_517, %ne3A_518 : i32
        %lt3A_520 = arith.constant 0 : i32
        %lt3A_521 = arith.cmpi slt, %rem3A_517, %lt3A_520 : i32
        %lt3A_522 = arith.constant 0 : i32
        %lt3A_523 = arith.cmpi slt, %select_n3A_516, %lt3A_522 : i32
        %ne3A_524 = arith.xori %lt3A_521, %lt3A_523 : i1
        %and3A_525 = arith.andi %ne3A_524, %ne3A_519 : i1
        %add3A_526 = arith.addi %rem3A_517, %select_n3A_516 : i32
        %select_n3A_527 = arith.select %and3A_525, %add3A_526, %rem3A_517 : i32
        %ne3A_528 = arith.cmpi ne, %select_n3A_508, %select_n3A_527 : i32
        %or3A_529 = arith.constant false
        %or3A_530 = arith.ori %or3A_529, %ne3A_528 : i1
        %or3A_531 = arith.ori %or3A_530, %eq3A_243 : i1
        %convert_element_type3A_532 = arith.extui %or3A_531 : i1 to i32
        %cond3A_533 = arith.constant 0 : i32
        %cond3A_534 = arith.cmpi ne, %convert_element_type3A_532, %cond3A_533 : i32
        scf.if %cond3A_534 {
        } else {
        }
        %and3A_535 = arith.constant false
        %and3A_536 = arith.andi %or3A_531, %and3A_535 : i1
        %mul3A_537 = arith.constant 256 : i32
        %mul3A_538 = arith.muli %add3A_245, %mul3A_537 : i32
        %add3A_539 = arith.addi %mul3A_538, %add3A_247 : i32
        %mul3A_540 = arith.constant 256 : i32
        %mul3A_541 = arith.muli %add3A_283, %mul3A_540 : i32
        %add3A_542 = arith.addi %mul3A_541, %add3A_285 : i32
        %ne3A_543 = arith.cmpi ne, %add3A_539, %add3A_542 : i32
        %or3A_544 = arith.constant false
        %or3A_545 = arith.ori %or3A_544, %ne3A_543 : i1
        %or3A_546 = arith.ori %or3A_545, %eq3A_243 : i1
        %convert_element_type3A_547 = arith.extui %or3A_546 : i1 to i32
        %cond3A_548 = arith.constant 0 : i32
        %cond3A_549 = arith.cmpi ne, %convert_element_type3A_547, %cond3A_548 : i32
        scf.if %cond3A_549 {
          "tpu.trace_start"() <{level = 10 : i32, message = "ep_copy_out"}> : () -> ()
          %rem3A_715 = arith.constant 2 : i32
          %rem3A_716 = arith.remui %scan3A_236, %rem3A_715 : i32
          %mul3A_717 = arith.constant 256 : i32
          %mul3A_718 = arith.muli %add3A_245, %mul3A_717 : i32
          %add3A_719 = arith.addi %mul3A_718, %add3A_247 : i32
          %mul3A_720 = arith.constant 4096 : i32
          %mul3A_721 = arith.muli %mul3A_720, %add3A_719 : i32
          %mul3A_722 = arith.constant 4096 : i32
          %mul3A_723 = arith.muli %rem3A_716, %mul3A_722 : i32
          %add3A_724 = arith.constant 0 : i32
          %add3A_725 = arith.addi %mul3A_723, %add3A_724 : i32
          %dma_start3A_726 = tpu.memref_slice %run_scoped3A_10[%add3A_725] : memref<8192xf32, #tpu.memory_space<vmem>> -> memref<4096xf32, #tpu.memory_space<vmem>>
          %dma_start3A_727 = tpu.memref_slice %arg4[%mul3A_721] : memref<33554432xf32, #tpu.memory_space<hbm>> -> memref<4096xf32, #tpu.memory_space<hbm>>
          %dma_start3A_728 = tpu.memref_slice %run_scoped3A_11[%rem3A_716] : memref<2x!tpu.dma_semaphore, #tpu.memory_space<semaphore_mem>> -> memref<1x!tpu.dma_semaphore, #tpu.memory_space<semaphore_mem>>
          %dma_start3A_729 = tpu.memref_squeeze %dma_start3A_728 : memref<1x!tpu.dma_semaphore, #tpu.memory_space<semaphore_mem>> -> memref<!tpu.dma_semaphore, #tpu.memory_space<semaphore_mem>>
          %dma_start3A_730 = tpu.memref_slice %arg4[%mul3A_721] : memref<33554432xf32, #tpu.memory_space<hbm>> -> memref<4096xf32, #tpu.memory_space<hbm>>
          %dma_start3A_731 = tpu.memref_slice %run_scoped3A_10[%add3A_725] : memref<8192xf32, #tpu.memory_space<vmem>> -> memref<4096xf32, #tpu.memory_space<vmem>>
          tpu.enqueue_dma source(%dma_start3A_731 : memref<4096xf32, #tpu.memory_space<vmem>>) target(%dma_start3A_730 : memref<4096xf32, #tpu.memory_space<hbm>>) target_semaphore(%dma_start3A_729 : memref<!tpu.dma_semaphore, #tpu.memory_space<semaphore_mem>>)
          "tpu.trace_stop"() : () -> ()
        } else {
        }
        %and3A_550 = arith.constant true
        %and3A_551 = arith.andi %or3A_546, %and3A_550 : i1
        %add3A_552 = arith.constant 1 : i32
        %add3A_553 = arith.addi %scan3A_236, %add3A_552 : i32
        %select_n3A_554 = arith.select %and3A_551, %add3A_553, %scan3A_236 : i32
        %mul3A_555 = arith.constant 256 : i32
        %mul3A_556 = arith.muli %add3A_245, %mul3A_555 : i32
        %add3A_557 = arith.addi %mul3A_556, %add3A_247 : i32
        %mul3A_558 = arith.constant 256 : i32
        %mul3A_559 = arith.muli %add3A_264, %mul3A_558 : i32
        %add3A_560 = arith.addi %mul3A_559, %add3A_266 : i32
        %ne3A_561 = arith.cmpi ne, %add3A_557, %add3A_560 : i32
        %or3A_562 = arith.constant false
        %or3A_563 = arith.ori %or3A_562, %ne3A_561 : i1
        %not3A_564 = arith.constant true
        %not3A_565 = arith.xori %eq3A_241, %not3A_564 : i1
        %and3A_566 = arith.andi %or3A_563, %not3A_565 : i1
        %convert_element_type3A_567 = arith.extui %and3A_566 : i1 to i32
        %cond3A_568 = arith.constant 0 : i32
        %cond3A_569 = arith.cmpi ne, %convert_element_type3A_567, %cond3A_568 : i32
        scf.if %cond3A_569 {
        } else {
        }
        %and3A_570 = arith.constant false
        %and3A_571 = arith.andi %and3A_566, %and3A_570 : i1
        %mul3A_572 = arith.constant 256 : i32
        %mul3A_573 = arith.muli %add3A_245, %mul3A_572 : i32
        %add3A_574 = arith.addi %mul3A_573, %add3A_247 : i32
        %jit3A_575 = arith.constant 2048 : i32
        %eq3A_576 = arith.constant 0 : i32
        %eq3A_577 = arith.cmpi eq, %jit3A_575, %eq3A_576 : i32
        %jit3A_578 = arith.constant 1 : i32
        %select_n3A_579 = arith.select %eq3A_577, %jit3A_578, %jit3A_575 : i32
        %rem3A_580 = arith.remsi %add3A_574, %select_n3A_579 : i32
        %ne3A_581 = arith.constant 0 : i32
        %ne3A_582 = arith.cmpi ne, %rem3A_580, %ne3A_581 : i32
        %lt3A_583 = arith.constant 0 : i32
        %lt3A_584 = arith.cmpi slt, %rem3A_580, %lt3A_583 : i32
        %lt3A_585 = arith.constant 0 : i32
        %lt3A_586 = arith.cmpi slt, %select_n3A_579, %lt3A_585 : i32
        %ne3A_587 = arith.xori %lt3A_584, %lt3A_586 : i1
        %and3A_588 = arith.andi %ne3A_587, %ne3A_582 : i1
        %add3A_589 = arith.addi %rem3A_580, %select_n3A_579 : i32
        %select_n3A_590 = arith.select %and3A_588, %add3A_589, %rem3A_580 : i32
        %mul3A_591 = arith.constant 256 : i32
        %mul3A_592 = arith.muli %add3A_264, %mul3A_591 : i32
        %add3A_593 = arith.addi %mul3A_592, %add3A_266 : i32
        %jit3A_594 = arith.constant 2048 : i32
        %eq3A_595 = arith.constant 0 : i32
        %eq3A_596 = arith.cmpi eq, %jit3A_594, %eq3A_595 : i32
        %jit3A_597 = arith.constant 1 : i32
        %select_n3A_598 = arith.select %eq3A_596, %jit3A_597, %jit3A_594 : i32
        %rem3A_599 = arith.remsi %add3A_593, %select_n3A_598 : i32
        %ne3A_600 = arith.constant 0 : i32
        %ne3A_601 = arith.cmpi ne, %rem3A_599, %ne3A_600 : i32
        %lt3A_602 = arith.constant 0 : i32
        %lt3A_603 = arith.cmpi slt, %rem3A_599, %lt3A_602 : i32
        %lt3A_604 = arith.constant 0 : i32
        %lt3A_605 = arith.cmpi slt, %select_n3A_598, %lt3A_604 : i32
        %ne3A_606 = arith.xori %lt3A_603, %lt3A_605 : i1
        %and3A_607 = arith.andi %ne3A_606, %ne3A_601 : i1
        %add3A_608 = arith.addi %rem3A_599, %select_n3A_598 : i32
        %select_n3A_609 = arith.select %and3A_607, %add3A_608, %rem3A_599 : i32
        %ne3A_610 = arith.cmpi ne, %select_n3A_590, %select_n3A_609 : i32
        %or3A_611 = arith.constant false
        %or3A_612 = arith.ori %or3A_611, %ne3A_610 : i1
        %not3A_613 = arith.constant true
        %not3A_614 = arith.xori %eq3A_241, %not3A_613 : i1
        %and3A_615 = arith.andi %or3A_612, %not3A_614 : i1
        %convert_element_type3A_616 = arith.extui %and3A_615 : i1 to i32
        %cond3A_617 = arith.constant 0 : i32
        %cond3A_618 = arith.cmpi ne, %convert_element_type3A_616, %cond3A_617 : i32
        scf.if %cond3A_618 {
        } else {
        }
        %and3A_619 = arith.constant false
        %and3A_620 = arith.andi %and3A_615, %and3A_619 : i1
        %mul3A_621 = arith.constant 256 : i32
        %mul3A_622 = arith.muli %add3A_245, %mul3A_621 : i32
        %add3A_623 = arith.addi %mul3A_622, %add3A_247 : i32
        %mul3A_624 = arith.constant 256 : i32
        %mul3A_625 = arith.muli %add3A_264, %mul3A_624 : i32
        %add3A_626 = arith.addi %mul3A_625, %add3A_266 : i32
        %ne3A_627 = arith.cmpi ne, %add3A_623, %add3A_626 : i32
        %or3A_628 = arith.constant false
        %or3A_629 = arith.ori %or3A_628, %ne3A_627 : i1
        %not3A_630 = arith.constant true
        %not3A_631 = arith.xori %eq3A_241, %not3A_630 : i1
        %and3A_632 = arith.andi %or3A_629, %not3A_631 : i1
        %convert_element_type3A_633 = arith.extui %and3A_632 : i1 to i32
        %cond3A_634 = arith.constant 0 : i32
        %cond3A_635 = arith.cmpi ne, %convert_element_type3A_633, %cond3A_634 : i32
        scf.if %cond3A_635 {
          "tpu.trace_start"() <{level = 10 : i32, message = "ep_wait_out"}> : () -> ()
          %rem3A_715 = arith.constant 2 : i32
          %rem3A_716 = arith.remui %scan3A_237, %rem3A_715 : i32
          %mul3A_717 = arith.constant 256 : i32
          %mul3A_718 = arith.muli %add3A_264, %mul3A_717 : i32
          %add3A_719 = arith.addi %mul3A_718, %add3A_266 : i32
          %mul3A_720 = arith.constant 4096 : i32
          %mul3A_721 = arith.muli %mul3A_720, %add3A_719 : i32
          %mul3A_722 = arith.constant 4096 : i32
          %mul3A_723 = arith.muli %rem3A_716, %mul3A_722 : i32
          %add3A_724 = arith.constant 0 : i32
          %add3A_725 = arith.addi %mul3A_723, %add3A_724 : i32
          %dma_wait3A_726 = tpu.memref_slice %run_scoped3A_10[%add3A_725] : memref<8192xf32, #tpu.memory_space<vmem>> -> memref<4096xf32, #tpu.memory_space<vmem>>
          %dma_wait3A_727 = tpu.memref_slice %arg4[%mul3A_721] : memref<33554432xf32, #tpu.memory_space<hbm>> -> memref<4096xf32, #tpu.memory_space<hbm>>
          %dma_wait3A_728 = tpu.memref_slice %run_scoped3A_11[%rem3A_716] : memref<2x!tpu.dma_semaphore, #tpu.memory_space<semaphore_mem>> -> memref<1x!tpu.dma_semaphore, #tpu.memory_space<semaphore_mem>>
          %dma_wait3A_729 = tpu.memref_squeeze %dma_wait3A_728 : memref<1x!tpu.dma_semaphore, #tpu.memory_space<semaphore_mem>> -> memref<!tpu.dma_semaphore, #tpu.memory_space<semaphore_mem>>
          %dma_wait3A_730 = tpu.memref_slice %arg4[%mul3A_721] : memref<33554432xf32, #tpu.memory_space<hbm>> -> memref<4096xf32, #tpu.memory_space<hbm>>
          %dma_wait3A_731 = tpu.memref_slice %run_scoped3A_10[%add3A_725] : memref<8192xf32, #tpu.memory_space<vmem>> -> memref<4096xf32, #tpu.memory_space<vmem>>
          tpu.wait_dma2 semaphore(%dma_wait3A_729 : memref<!tpu.dma_semaphore, #tpu.memory_space<semaphore_mem>>) src(%dma_wait3A_731 : memref<4096xf32, #tpu.memory_space<vmem>>) dst(%dma_wait3A_730 : memref<4096xf32, #tpu.memory_space<hbm>>)
          "tpu.trace_stop"() : () -> ()
        } else {
        }
        %and3A_636 = arith.constant true
        %and3A_637 = arith.andi %and3A_632, %and3A_636 : i1
        %add3A_638 = arith.constant 1 : i32
        %add3A_639 = arith.addi %scan3A_237, %add3A_638 : i32
        %select_n3A_640 = arith.select %and3A_637, %add3A_639, %scan3A_237 : i32
        %mul3A_641 = arith.constant 256 : i32
        %mul3A_642 = arith.muli %add3A_245, %mul3A_641 : i32
        %add3A_643 = arith.addi %mul3A_642, %add3A_247 : i32
        %mul3A_644 = arith.constant 256 : i32
        %mul3A_645 = arith.muli %add3A_283, %mul3A_644 : i32
        %add3A_646 = arith.addi %mul3A_645, %add3A_285 : i32
        %ne3A_647 = arith.cmpi ne, %add3A_643, %add3A_646 : i32
        %or3A_648 = arith.constant false
        %or3A_649 = arith.ori %or3A_648, %ne3A_647 : i1
        %or3A_650 = arith.ori %or3A_649, %eq3A_243 : i1
        %add3A_651 = arith.constant 1 : i32
        %add3A_652 = arith.addi %scan3A_233, %add3A_651 : i32
        %select_n3A_653 = arith.select %or3A_650, %add3A_652, %scan3A_233 : i32
        %mul3A_654 = arith.constant 256 : i32
        %mul3A_655 = arith.muli %add3A_245, %mul3A_654 : i32
        %add3A_656 = arith.addi %mul3A_655, %add3A_247 : i32
        %jit3A_657 = arith.constant 2048 : i32
        %eq3A_658 = arith.constant 0 : i32
        %eq3A_659 = arith.cmpi eq, %jit3A_657, %eq3A_658 : i32
        %jit3A_660 = arith.constant 1 : i32
        %select_n3A_661 = arith.select %eq3A_659, %jit3A_660, %jit3A_657 : i32
        %rem3A_662 = arith.remsi %add3A_656, %select_n3A_661 : i32
        %ne3A_663 = arith.constant 0 : i32
        %ne3A_664 = arith.cmpi ne, %rem3A_662, %ne3A_663 : i32
        %lt3A_665 = arith.constant 0 : i32
        %lt3A_666 = arith.cmpi slt, %rem3A_662, %lt3A_665 : i32
        %lt3A_667 = arith.constant 0 : i32
        %lt3A_668 = arith.cmpi slt, %select_n3A_661, %lt3A_667 : i32
        %ne3A_669 = arith.xori %lt3A_666, %lt3A_668 : i1
        %and3A_670 = arith.andi %ne3A_669, %ne3A_664 : i1
        %add3A_671 = arith.addi %rem3A_662, %select_n3A_661 : i32
        %select_n3A_672 = arith.select %and3A_670, %add3A_671, %rem3A_662 : i32
        %mul3A_673 = arith.constant 256 : i32
        %mul3A_674 = arith.muli %add3A_283, %mul3A_673 : i32
        %add3A_675 = arith.addi %mul3A_674, %add3A_285 : i32
        %jit3A_676 = arith.constant 2048 : i32
        %eq3A_677 = arith.constant 0 : i32
        %eq3A_678 = arith.cmpi eq, %jit3A_676, %eq3A_677 : i32
        %jit3A_679 = arith.constant 1 : i32
        %select_n3A_680 = arith.select %eq3A_678, %jit3A_679, %jit3A_676 : i32
        %rem3A_681 = arith.remsi %add3A_675, %select_n3A_680 : i32
        %ne3A_682 = arith.constant 0 : i32
        %ne3A_683 = arith.cmpi ne, %rem3A_681, %ne3A_682 : i32
        %lt3A_684 = arith.constant 0 : i32
        %lt3A_685 = arith.cmpi slt, %rem3A_681, %lt3A_684 : i32
        %lt3A_686 = arith.constant 0 : i32
        %lt3A_687 = arith.cmpi slt, %select_n3A_680, %lt3A_686 : i32
        %ne3A_688 = arith.xori %lt3A_685, %lt3A_687 : i1
        %and3A_689 = arith.andi %ne3A_688, %ne3A_683 : i1
        %add3A_690 = arith.addi %rem3A_681, %select_n3A_680 : i32
        %select_n3A_691 = arith.select %and3A_689, %add3A_690, %rem3A_681 : i32
        %ne3A_692 = arith.cmpi ne, %select_n3A_672, %select_n3A_691 : i32
        %or3A_693 = arith.constant false
        %or3A_694 = arith.ori %or3A_693, %ne3A_692 : i1
        %or3A_695 = arith.ori %or3A_694, %eq3A_243 : i1
        %add3A_696 = arith.constant 1 : i32
        %add3A_697 = arith.addi %scan3A_235, %add3A_696 : i32
        %select_n3A_698 = arith.select %or3A_695, %add3A_697, %scan3A_235 : i32
        %add3A_699 = arith.constant 1 : i32
        %add3A_700 = arith.addi %scan3A_239, %add3A_699 : i32
        %select_n3A_701 = arith.constant true
        %select_n3A_702 = arith.select %select_n3A_701, %add3A_700, %scan3A_239 : i32
        %eq3A_703 = arith.constant 256 : i32
        %eq3A_704 = arith.cmpi eq, %select_n3A_702, %eq3A_703 : i32
        %select_n3A_705 = arith.constant 0 : i32
        %select_n3A_706 = arith.select %eq3A_704, %select_n3A_705, %select_n3A_702 : i32
        %select_n3A_707 = arith.constant 0 : i32
        %select_n3A_708 = arith.constant 1 : i32
        %select_n3A_709 = arith.select %eq3A_704, %select_n3A_708, %select_n3A_707 : i32
        %eq3A_710 = arith.constant 1 : i32
        %eq3A_711 = arith.cmpi eq, %select_n3A_709, %eq3A_710 : i32
        %select_n3A_712 = arith.constant 0 : i32
        %select_n3A_713 = arith.select %eq3A_711, %select_n3A_712, %select_n3A_709 : i32
        %scan3A_714 = arith.constant 0 : i32
        scf.yield %select_n3A_321, %select_n3A_653, %select_n3A_375, %select_n3A_698, %select_n3A_554, %select_n3A_640, %scan3A_714, %select_n3A_706 : i32, i32, i32, i32, i32, i32, i32, i32
      }
      %scan3A_139 = arith.constant 256 : i32
      %sub3A = arith.constant 1 : i32
      %sub3A_140 = arith.subi %scan3A_138#7, %sub3A : i32
      %select_n3A_141 = arith.constant true
      %select_n3A_142 = arith.select %select_n3A_141, %sub3A_140, %scan3A_138#7 : i32
      %eq3A_143 = arith.constant -1 : i32
      %eq3A_144 = arith.cmpi eq, %select_n3A_142, %eq3A_143 : i32
      %select_n3A_145 = arith.constant 255 : i32
      %select_n3A_146 = arith.select %eq3A_144, %select_n3A_145, %select_n3A_142 : i32
      %sub3A_147 = arith.constant 1 : i32
      %sub3A_148 = arith.subi %scan3A_138#6, %sub3A_147 : i32
      %select_n3A_149 = arith.select %eq3A_144, %sub3A_148, %scan3A_138#6 : i32
      %eq3A_150 = arith.constant -1 : i32
      %eq3A_151 = arith.cmpi eq, %select_n3A_149, %eq3A_150 : i32
      %select_n3A_152 = arith.constant 0 : i32
      %select_n3A_153 = arith.select %eq3A_151, %select_n3A_152, %select_n3A_149 : i32
      %add3A_154 = arith.constant 0 : i32
      %add3A_155 = arith.addi %add3A_154, %mul3A_6 : i32
      %add3A_156 = arith.constant 0 : i32
      %add3A_157 = arith.addi %select_n3A_146, %add3A_156 : i32
      %sub3A_158 = arith.constant 1 : i32
      %sub3A_159 = arith.subi %select_n3A_146, %sub3A_158 : i32
      %select_n3A_160 = arith.constant true
      %select_n3A_161 = arith.select %select_n3A_160, %sub3A_159, %select_n3A_146 : i32
      %eq3A_162 = arith.constant -1 : i32
      %eq3A_163 = arith.cmpi eq, %select_n3A_161, %eq3A_162 : i32
      %select_n3A_164 = arith.constant 255 : i32
      %select_n3A_165 = arith.select %eq3A_163, %select_n3A_164, %select_n3A_161 : i32
      %select_n3A_166 = arith.constant 0 : i32
      %select_n3A_167 = arith.constant -1 : i32
      %select_n3A_168 = arith.select %eq3A_163, %select_n3A_167, %select_n3A_166 : i32
      %eq3A_169 = arith.constant -1 : i32
      %eq3A_170 = arith.cmpi eq, %select_n3A_168, %eq3A_169 : i32
      %select_n3A_171 = arith.constant 0 : i32
      %select_n3A_172 = arith.select %eq3A_170, %select_n3A_171, %select_n3A_168 : i32
      %add3A_173 = arith.constant 0 : i32
      %add3A_174 = arith.addi %add3A_173, %mul3A_6 : i32
      %add3A_175 = arith.constant 0 : i32
      %add3A_176 = arith.addi %select_n3A_165, %add3A_175 : i32
      %add3A_177 = arith.constant 1 : i32
      %add3A_178 = arith.addi %select_n3A_146, %add3A_177 : i32
      %select_n3A_179 = arith.constant true
      %select_n3A_180 = arith.select %select_n3A_179, %add3A_178, %select_n3A_146 : i32
      %eq3A_181 = arith.constant 256 : i32
      %eq3A_182 = arith.cmpi eq, %select_n3A_180, %eq3A_181 : i32
      %select_n3A_183 = arith.constant 0 : i32
      %select_n3A_184 = arith.select %eq3A_182, %select_n3A_183, %select_n3A_180 : i32
      %select_n3A_185 = arith.constant 0 : i32
      %select_n3A_186 = arith.constant 1 : i32
      %select_n3A_187 = arith.select %eq3A_182, %select_n3A_186, %select_n3A_185 : i32
      %eq3A_188 = arith.constant 1 : i32
      %eq3A_189 = arith.cmpi eq, %select_n3A_187, %eq3A_188 : i32
      %select_n3A_190 = arith.constant 0 : i32
      %select_n3A_191 = arith.select %eq3A_189, %select_n3A_190, %select_n3A_187 : i32
      %add3A_192 = arith.constant 0 : i32
      %add3A_193 = arith.addi %add3A_192, %mul3A_6 : i32
      %add3A_194 = arith.constant 0 : i32
      %add3A_195 = arith.addi %select_n3A_184, %add3A_194 : i32
      %add3A_196 = arith.constant 1 : i32
      %add3A_197 = arith.addi %select_n3A_184, %add3A_196 : i32
      %select_n3A_198 = arith.constant true
      %select_n3A_199 = arith.select %select_n3A_198, %add3A_197, %select_n3A_184 : i32
      %eq3A_200 = arith.constant 256 : i32
      %eq3A_201 = arith.cmpi eq, %select_n3A_199, %eq3A_200 : i32
      %select_n3A_202 = arith.constant 0 : i32
      %select_n3A_203 = arith.select %eq3A_201, %select_n3A_202, %select_n3A_199 : i32
      %select_n3A_204 = arith.constant 0 : i32
      %select_n3A_205 = arith.constant 1 : i32
      %select_n3A_206 = arith.select %eq3A_201, %select_n3A_205, %select_n3A_204 : i32
      %eq3A_207 = arith.constant 1 : i32
      %eq3A_208 = arith.cmpi eq, %select_n3A_206, %eq3A_207 : i32
      %select_n3A_209 = arith.constant 0 : i32
      %select_n3A_210 = arith.select %eq3A_208, %select_n3A_209, %select_n3A_206 : i32
      %add3A_211 = arith.constant 0 : i32
      %add3A_212 = arith.addi %add3A_211, %mul3A_6 : i32
      %add3A_213 = arith.constant 0 : i32
      %add3A_214 = arith.addi %select_n3A_203, %add3A_213 : i32
      "tpu.trace_start"() <{level = 10 : i32, message = "ep_finalize"}> : () -> ()
      %rem3A_215 = arith.constant 2 : i32
      %rem3A_216 = arith.remui %scan3A_138#5, %rem3A_215 : i32
      %mul3A_217 = arith.constant 256 : i32
      %mul3A_218 = arith.muli %add3A_155, %mul3A_217 : i32
      %add3A_219 = arith.addi %mul3A_218, %add3A_157 : i32
      %mul3A_220 = arith.constant 4096 : i32
      %mul3A_221 = arith.muli %mul3A_220, %add3A_219 : i32
      %mul3A_222 = arith.constant 4096 : i32
      %mul3A_223 = arith.muli %rem3A_216, %mul3A_222 : i32
      %add3A_224 = arith.constant 0 : i32
      %add3A_225 = arith.addi %mul3A_223, %add3A_224 : i32
      %dma_wait3A = tpu.memref_slice %run_scoped3A_10[%add3A_225] : memref<8192xf32, #tpu.memory_space<vmem>> -> memref<4096xf32, #tpu.memory_space<vmem>>
      %dma_wait3A_226 = tpu.memref_slice %arg4[%mul3A_221] : memref<33554432xf32, #tpu.memory_space<hbm>> -> memref<4096xf32, #tpu.memory_space<hbm>>
      %dma_wait3A_227 = tpu.memref_slice %run_scoped3A_11[%rem3A_216] : memref<2x!tpu.dma_semaphore, #tpu.memory_space<semaphore_mem>> -> memref<1x!tpu.dma_semaphore, #tpu.memory_space<semaphore_mem>>
      %dma_wait3A_228 = tpu.memref_squeeze %dma_wait3A_227 : memref<1x!tpu.dma_semaphore, #tpu.memory_space<semaphore_mem>> -> memref<!tpu.dma_semaphore, #tpu.memory_space<semaphore_mem>>
      %dma_wait3A_229 = tpu.memref_slice %arg4[%mul3A_221] : memref<33554432xf32, #tpu.memory_space<hbm>> -> memref<4096xf32, #tpu.memory_space<hbm>>
      %dma_wait3A_230 = tpu.memref_slice %run_scoped3A_10[%add3A_225] : memref<8192xf32, #tpu.memory_space<vmem>> -> memref<4096xf32, #tpu.memory_space<vmem>>
      tpu.wait_dma2 semaphore(%dma_wait3A_228 : memref<!tpu.dma_semaphore, #tpu.memory_space<semaphore_mem>>) src(%dma_wait3A_230 : memref<4096xf32, #tpu.memory_space<vmem>>) dst(%dma_wait3A_229 : memref<4096xf32, #tpu.memory_space<hbm>>)
      "tpu.trace_stop"() : () -> ()
      tpu.yield
    }) : () -> ()
    return
  }
}

</mosaic_0001>

<sc_bundles>
// kernel: kernel.3.cloned.1.call-start
scs
__scs_entry_jumppad:
0x0: {  	(pc) =	sbr.rel $0x88, $3  }
0x1: {  	(tag) =	ssettag $0x0;
	lr =	simm.s32 $0x1  }
0x2: {  	[smem:$0x3F9F] =	sst lr;
	_ =	strace $0xD0000000  }
0x3: {  	_ = 	snop  }
0x4: {  	_ = 	snop  }
0x5: {  	_ = 	snop  }
0x6: {  	_ = 	snop  }
0x7: {  	_ = 	snop  }
__scs_overlays_trampoline_lowered:
0x8: {  	[smem:$0x3FAE] =	sst s0  }
0x9: {  	[smem:$0x3FAF] =	sst s1  }
0xa: {  	[smem:$0x3FB0] =	sst s2  }
0xb: {  	[smem:$0x3FB1] =	sst s3  }
0xc: {  	[smem:$0x3FB2] =	sst s4  }
0xd: {  	[smem:$0x3FB3] =	sst s5  }
0xe: {  	[smem:$0x3FB4] =	sst s6  }
0xf: {  	[smem:$0x3FB5] =	sst s7  }
0x10: {  	[smem:$0x3FB6] =	sst s8  }
0x11: {  	[smem:$0x3FB7] =	sst s9;
	s0 =	simm.s32 @!p0 $0x0  }
0x12: {  	s1 =	sld [smem:$0x3F9D];
	s0 =	simm.s32 @p0 $0x1  }
0x13: {  	[smem:$0x3FB8] =	sst s0;
	s0 =	simm.s32 @!p1 $0x0  }
0x14: {  	s2 =	sld [smem:$0x3F9C];
	s0 =	simm.s32 @p1 $0x1  }
0x15: {  	[smem:$0x3FB9] =	sst s0;
	s0 =	simm.s32 @!p2 $0x0  }
0x16: {  	s3 =	sld [smem:$0x3FDB];
	s0 =	simm.s32 @p2 $0x1  }
0x17: {  	s4 =	simm.s32 $0x1BF5;
	[smem:$0x3FBB] =	sst s0  }
0x18: {  	s0 =	sld [smem:$0x3F9E];
	_ =	swait.ge [sflag:s4], $0x0  }
0x19: {  	s7 =	sld [smem:$0x3F9F]  }
0x1a: {  	s8 =	sadd.s32 $0xFFFFE003, lr  }
0x1b: {  	s9 =	sadd.s32 $0xFFFFFEF7, lr;
	s5 =	simm.s32 $0xFFFFFFFF;
	p2 =	slt.u32 s8, $0xFFFFF086  }
0x1c: {  	p1 =	slt.u32 s9, $0xF7A;
	s5 =	simm.s32 @!p2 $0x0  }
0x1d: {  	s5 =	simm.s32 @p1 $0x1;
	p0 =	seq.s32 s7, s2  }
0x1e: {  	s7 =	smul.u32 @!p0 $0xF7A, s2;
	p2 =	seq.s32 @!p0 s5, $0x0  }
0x1f: {  	s9 =	smul.u32 $0xF7A, s1;
	s8 =	simm.s32 @!p0 $0x1BF5;
	p2 =	por !p2, p0  }
0x20: {  	[sflag:s8] =	ssyncset.s32 @!p0 $0xFFFFF086;
	s6 =	sadd.s32 @!p0 s3, s7;
	s7 =	simm.s32 @!p0 $0x108  }
0x21: {  	s3 =	sadd.s32 s3, s9;
	s6 =	sadd.s32 @!p0 $0x88, s6;
	s7 =	simm.s32 @p2 $0x1082  }
0x22: {  	[simem:s7], [sflag:s8] =	dma.local @!p0 [hbm:s6], $0xF7A  }
0x23: {  	s9 =	sor.u32 $0xD0000000, s2;
	s6 =	simm.s32 $0x108;
	_ =	swait.ge @!p0 [sflag:s8], $0x0  }
0x24: {  	s3 =	sadd.s32 $0x88, s3;
	s6 =	simm.s32 @!p1 $0x1082;
	[sflag:s4] =	ssyncset.s32 $0xFFFFF086  }
0x25: {  	[simem:s6], [sflag:s4] =	dma.local [hbm:s3], $0xF7A  }
0x26: {  	[smem:$0x3F9F] =	sst s1;
	(tag) =	ssettag s2;
	_ =	strace s9  }
0x27: {  	s1 =	sld [smem:$0x3FAF]  }
0x28: {  	s2 =	sld [smem:$0x3FB0]  }
0x29: {  	s4 =	sld [smem:$0x3FB2]  }
0x2a: {  	p0 =	seq.s32 s5, $0x0;
	s5 =	sld [smem:$0x3FB3]  }
0x2b: {  	s6 =	sld [smem:$0x3FB4]  }
0x2c: {  	s7 =	sld [smem:$0x3FB5]  }
0x2d: {  	s3 =	simm.s32 $0x108;
	s8 =	sld [smem:$0x3FB6]  }
0x2e: {  	s3 =	simm.s32 @!p0 $0x1082;
	s9 =	sld [smem:$0x3FB7]  }
0x2f: {  	lr =	sadd.s32 s0, s3;
	s0 =	sld [smem:$0x3FAE]  }
0x30: {  	s3 =	sld [smem:$0x3FB1]  }
0x31: {  	[smem:$0x3FBA] =	sst s10  }
0x32: {  	s10 =	sld [smem:$0x3FB8];
	_ =	sdelay $0x3  }
0x33: {  	p0 =	seq.s32 s10, $0x1;
	s10 =	sld [smem:$0x3FBA];
	_ =	sdelay $0x3  }
0x34: {  	[smem:$0x3FBA] =	sst s10  }
0x35: {  	s10 =	sld [smem:$0x3FB9];
	_ =	sdelay $0x3  }
0x36: {  	p1 =	seq.s32 s10, $0x1;
	s10 =	sld [smem:$0x3FBA];
	_ =	sdelay $0x3  }
0x37: {  	[smem:$0x3FBA] =	sst s10  }
0x38: {  	s10 =	sld [smem:$0x3FBB]  }
0x39: {  	_ = 	snop;
	(pc) =	sbr.ind lr, $3  }
0x3a: {  	_ = 	snop  }
0x3b: {  	_ = 	snop  }
0x3c: {  	p2 =	seq.s32 s10, $0x1;
	s10 =	sld [smem:$0x3FBA]  }
0x3d: {  	_ =	shalt  }
0x3e: {  	_ =	shalt  }
0x3f: {  	_ =	shalt  }
0x40: {  	_ =	shalt  }
0x41: {  	_ =	shalt  }
0x42: {  	_ =	shalt  }
0x43: {  	_ =	shalt  }
0x44: {  	_ =	shalt  }
0x45: {  	_ =	shalt  }
0x46: {  	_ =	shalt  }
0x47: {  	_ =	shalt  }
0x48: {  	_ =	shalt  }
0x49: {  	_ =	shalt  }
0x4a: {  	_ =	shalt  }
0x4b: {  	_ =	shalt  }
0x4c: {  	_ =	shalt  }
0x4d: {  	_ =	shalt  }
0x4e: {  	_ =	shalt  }
0x4f: {  	_ =	shalt  }
0x50: {  	_ =	shalt  }
0x51: {  	_ =	shalt  }
0x52: {  	_ =	shalt  }
0x53: {  	_ =	shalt  }
0x54: {  	_ =	shalt  }
0x55: {  	_ =	shalt  }
0x56: {  	_ =	shalt  }
0x57: {  	_ =	shalt  }
0x58: {  	_ =	shalt  }
0x59: {  	_ =	shalt  }
0x5a: {  	_ =	shalt  }
0x5b: {  	_ =	shalt  }
0x5c: {  	_ =	shalt  }
0x5d: {  	_ =	shalt  }
0x5e: {  	_ =	shalt  }
0x5f: {  	_ =	shalt  }
0x60: {  	_ =	shalt  }
0x61: {  	_ =	shalt  }
0x62: {  	_ =	shalt  }
0x63: {  	_ =	shalt  }
0x64: {  	_ =	shalt  }
0x65: {  	_ =	shalt  }
0x66: {  	_ =	shalt  }
0x67: {  	_ =	shalt  }
0x68: {  	_ =	shalt  }
0x69: {  	_ =	shalt  }
0x6a: {  	_ =	shalt  }
0x6b: {  	_ =	shalt  }
0x6c: {  	_ =	shalt  }
0x6d: {  	_ =	shalt  }
0x6e: {  	_ =	shalt  }
0x6f: {  	_ =	shalt  }
0x70: {  	_ =	shalt  }
0x71: {  	_ =	shalt  }
0x72: {  	_ =	shalt  }
0x73: {  	_ =	shalt  }
0x74: {  	_ =	shalt  }
0x75: {  	_ =	shalt  }
0x76: {  	_ =	shalt  }
0x77: {  	_ =	shalt  }
0x78: {  	_ =	shalt  }
0x79: {  	_ =	shalt  }
0x7a: {  	_ =	shalt  }
0x7b: {  	_ =	shalt  }
0x7c: {  	_ =	shalt  }
0x7d: {  	_ =	shalt  }
0x7e: {  	_ =	shalt  }
0x7f: {  	_ =	shalt  }
0x80: {  	_ =	shalt  }
0x81: {  	_ =	shalt  }
0x82: {  	_ =	shalt  }
0x83: {  	_ =	shalt  }
0x84: {  	_ =	shalt  }
0x85: {  	_ =	shalt  }
0x86: {  	_ =	shalt  }
0x87: {  	_ =	shalt  }
.Lfunc_end0:
.L_simem_size_0:
called_computation.2_lowered:
.L_overlay_start_0:
0x88: {  	s2 =	sld [smem:$0x3FD9]  }
0x89: {  	s3 =	sld [smem:$0x3FFE];
	_ =	sdelay $0x1  }
0x8a: {  	s1 =	srdreg.scid  }
0x8b: {  	s0 =	sand.u32 $0x1, s1  }
0x8c: {  	s17 =	sshll.u32 s0, $0xA;
	s2 =	sadd.s32 s3, s2  }
0x8d: {  	s2 =	sadd.s32 s2, s17  }
0x8e: {  	[smem:$0x3FC6] =	sst s2  }
0x8f: {  	_ = 	snop  }
0x90: {  	s2 =	sld [smem:$0x3FD0];
	(tm) =	ssettm $0x1  }
0x91: {  	s18 =	sld [smem:$0x3FFB];
	_ =	sdelay $0x3  }
0x92: {  	_ =	strace s18  }
0x93: {  	s3 =	sld [smem:$0x3FFC];
	_ =	sdelay $0x3  }
0x94: {  	_ =	strace s3  }
0x95: {  	s3 =	sld [smem:$0x3FFD];
	_ =	sdelay $0x3  }
0x96: {  	_ =	strace s3  }
0x97: {  	_ =	strace $0x8FFFFFFF  }
0x98: {  	s19 =	sld [smem:$0x3FDB];
	_ =	sdelay $0x1  }
0x99: {  	s4 =	simm.s32 $_scs_section_size  }
0x9a: {  	s5 =	simm.s32 $_size__tile_overlayer_lowered;
	s6 =	simm.s32 $_tile_overlayer_lowered  }
0x9b: {  	s22 =	simm.s32 $0x1BFF;
	s21 =	sshll.u32 s6, $0x1;
	s3 =	sadd.s32 s4, s19  }
0x9c: {  	s7 =	simm.s32 $0x0;
	s20 =	sshll.u32 s5, $0x1;
	s5 =	sadd.s32 s21, s3  }
0x9d: {  	[timem:s7], [sflag:s22] =	dma.local [hbm:s5], s20  }
0x9e: {  	_ =	swait.ge [sflag:s22], s20  }
0x9f: {  	s4 =	ssub.s32 $0x0, s20;
	[sflag:s22] =	ssyncset.done $0x0  }
0xa0: {  	[sflag:s22] =	ssyncadd.s32 s4;
	_ =	sdelay $0x1  }
0xa1: {  	s23 =	simm.s32 $0x1B8B  }
0xa2: {  	_ =	swait.ge [sflag:s23], $0x1  }
0xa3: {  	[sflag:s23] =	ssyncset.done $0x0  }
0xa4: {  	s25 =	simm.s32 $0x1B8E;
	s24 =	sld [smem:$0x3FFE];
	[sflag:s23] =	ssyncadd.s32 $0xFFFFFFFF  }
0xa5: {  	s26 =	simm.s32 $execute0_lowered;
	[smem:$0x3FD2] =	sst s25  }
0xa6: {  	s5 =	sshll.u32 s26, $0x1;
	_ =	strace $0x8000004C;
	[dreg:$0x1] =	wrdreg $0xFFFFFFFF  }
0xa7: {  	s28 =	simm.s32 $_size_execute0_lowered;
	s3 =	sadd.s32 s3, s5;
	[dreg:$0x0] =	wrdreg $0x0  }
0xa8: {  	s5 =	sshll.u32 s28, $0x1;
	[dreg:$0x2] =	wrdreg s3  }
0xa9: {  	[dreg:$0x3] =	wrdreg s5  }
0xaa: {  	[dreg:$0x4] =	wrdreg $0xC0  }
0xab: {  	_ =	task [dreg:s7], $0x5FFFF  }
0xac: {  	[dreg:$0x1] =	wrdreg $0xFFFFFFFF  }
0xad: {  	[dreg:$0x0] =	wrdreg $0x60  }
0xae: {  	[dreg:$0x2] =	wrdreg s2  }
0xaf: {  	[dreg:$0x3] =	wrdreg s24  }
0xb0: {  	[dreg:$0x4] =	wrdreg $0x9  }
0xb1: {  	_ =	task.clear_ibuf [dreg:s7], $0x5FFFF;
	_ =	strace $0x9000004C  }
0xb2: {  	s29 =	simm.s32 $0x9;
	_ =	strace $0x80000057  }
0xb3: {  	_ =	swait.ge [sflag:s29], $0x1  }
0xb4: {  	[sflag:s29] =	ssyncadd.s32 $0xFFFFFFFF  }
0xb5: {  	_ =	strace $0x90000057  }
0xb6: {  	_ =	sfence  }
0xb7: {  	s30 =	sld [smem:$0x0];
	_ =	sdelay $0x2  }
0xb8: {  	s31 =	sshll.u32 s1, $0xD;
	s1 =	sshrl.u32 s1, $0x2  }
0xb9: {  	s3 =	sand.u32 $0x4000, s31;
	s1 =	sadd.s32 s1, s30  }
0xba: {  	s0 =	sor.u32 s3, s0;
	s1 =	sshll.u32 s1, $0x11  }
0xbb: {  	s0 =	sor.u32 s1, s0  }
0xbc: {  	s0 =	sadd.s32 $0x8F2B, s0  }
0xbd: {  	[sflag:s0] =	ssyncadd.remote.s32 $0x1  }
0xbe: {  	_ =	sfence.sel $0xFFFF  }
0xbf: {  	[dreg:$0x0] =	wrdreg $0xFFFFFFFF;
	(pc) =	sbr.abs _section_cstart, $3  }
0xc0: {  	[dreg:$0x1] =	wrdreg $0xFFFFFFFF  }
0xc1: {  	_ =	task.clear_ibuf [dreg:s7], $0x2FFFF;
	_ =	strace $0x9FFFFFFF  }
0xc2: {  	(tm) =	ssettm $0x7FFFFFFF  }
0xc3: {  	_ =	shalt  }
tec
execute0_lowered:
.L_overlay_start_1:
0x0: {  	(tag) =	ssettag $0x1  }
0x1: {  	s1 =	rddreg [dreg:$0x0]  }
0x2: {  	s3 =	rddreg [dreg:$0x1]  }
0x3: {  	s0 =	rddreg [dreg:$0x2];
	s2 =	simm.s32 $0x0  }
0x4: {  	s6 =	srdreg.scid;
	s11 =	simm.s32 $0x0;
	[smem:$0x7FF] =	sst s2  }
0x5: {  	s4 =	sadd.s32 $0xC00, s3;
	s5 =	sadd.s32 $0x100C00, s3;
	s6 =	sand.u32 $0x1, s6  }
0x6: {  	s3 =	stileid.u32;
	_ =	strace $0x8000004D;
	s7 =	ssub.s32 $0x2, s6  }
0x7: {  	s6 =	sshll.u32 s6, $0x4;
	s29 =	sshll.u32 s3, $0x11;
	s8 =	sshrl.u32 s7, $0x1  }
0x8: {  	s9 =	sor.u32 s3, s6;
	s31 =	sand.u32 $0xE0000, s29;
	s10 =	ssub.s32 s7, s8  }
0x9: {  	s30 =	sshll.u32 s9, $0x11;
	s7 =	sshll.u32 s9, $0x8;
	s8 =	sadd.s32 s4, s31  }
0xa: {  	s6 =	sadd.s32 s1, s30;
	s9 =	smax.u32 s10, $0x1;
	s10 =	simm.s32 $0x2000  }
.LBB2_1:
0xb: {  	_ =	strace $0x8000004E  }
0xc: {  	s13 =	simm.s32 $0x0;
	s12 =	simm.s32 $0x0;
	s14 =	simm.s32 $0x0  }
0xd: {  	[tilespmem:s2], [sflag:$0x1] =	stream.linear.gather [hbm4b:s6+s2], $0x1000, $0x200038;
	[tilespmem:$0x6000] =	vst v63  }
0xe: {  	s15 =	simm.s32 $0x0;
	s16 =	simm.s32 $0x1;
	s17 =	simm.s32 $0x0  }
0xf: {  	[tilespmem:s10], [sflag:$0x3] =	stream.linear.gather [hbm4b:s8+s2], $0x1000, $0x200038;
	[tilespmem:$0x6000] =	vst v63  }
0x10: {  	s18 =	simm.s32 $0x1;
	s19 =	simm.s32 $0x0;
	_ =	strace $0x9000004E  }
.LBB2_2:
0x11: {  	s21 =	smov.u32 s13;
	s13 =	sadd.s32 $0x1, s13  }
0x12: {  	p0 =	seq.s32 s13, $0x100  }
0x13: {  	s13 =	simm.s32 @p0 $0x0  }
0x14: {  	p2 =	sne.s32 s19, $0xFF;
	p1 =	sne.s32 s21, s13  }
0x15: {  	p6 =	por !p2, !p1  }
0x16: {  	s22 =	sadd.s32 s7, s13;
	p3 =	por !p6, !p6  }
0x17: {  	s20 =	sadd.s32 s7, s21;
	_ =	strace @p3 $0x8000004F;
	s24 =	sshll.u32 @p3 s22, $0x9  }
0x18: {  	s23 =	sand.u32 @p3 $0x1, s18;
	s26 =	simm.s32 @p3 $0x0;
	s24 =	sand.u32 @p3 $0x1FFFFE00, s24  }
0x19: {  	s25 =	sshll.u32 @p3 s23, $0xC;
	s23 =	sadd.s32 @p3 $0x1, s23;
	s24 =	sadd.s32 @p3 s1, s24  }
0x1a: {  	[tilespmem:s25], [sflag:s23] =	stream.linear.gather @p3 [hbm4b:s24+s26], $0x1000, $0x200038;
	[tilespmem:$0x6000] =	vst v63  }
0x1b: {  	s22 =	sand.u32 $0x7FF, s22;
	s23 =	sand.u32 $0x7FF, s20  }
0x1c: {  	p0 =	sne.s32 s23, s22  }
0x1d: {  	p2 =	por !p2, !p0  }
0x1e: {  	s24 =	sadd.s32 $0x7FF, s21;
	_ =	strace @p3 $0x9000004F;
	p4 =	por !p2, !p2  }
0x1f: {  	p2 =	seq.s32 s21, $0x0;
	s25 =	sand.u32 @p4 $0x1, s16;
	_ =	strace @p4 $0x80000050  }
0x20: {  	s22 =	sshll.u32 @p4 s22, $0x9;
	s26 =	simm.s32 @p4 $0x0;
	s21 =	sshll.u32 @p4 s25, $0xC  }
0x21: {  	s25 =	sadd.s32 @p4 $0x3, s25;
	s22 =	sadd.s32 @p4 s4, s22;
	s21 =	sor.u32 @p4 $0x2000, s21  }
0x22: {  	[tilespmem:s21], [sflag:s25] =	stream.linear.gather @p4 [hbm4b:s22+s26], $0x1000, $0x200038;
	[tilespmem:$0x6000] =	vst v63  }
0x23: {  	s26 =	sand.u32 $0x1, s17;
	_ =	strace @p4 $0x90000050  }
0x24: {  	s24 =	simm.s32 @p2 $0xFF;
	s29 =	sadd.s32 $0x1, s26;
	_ =	strace $0x80000051  }
0x25: {  	s28 =	sadd.s32 s7, s24;
	_ =	swait.ge [sflag:s29], $0x1000  }
0x26: {  	p2 =	seq.s32 s19, $0x0;
	s22 =	sand.u32 $0x7FF, s28;
	[sflag:s29] =	ssyncset.done $0x0  }
0x27: {  	p5 =	seq.s32 @!p2 s23, s22;
	[sflag:s29] =	ssyncadd.s32 $0xFFFFF000  }
0x28: {  	s22 =	sand.u32 $0x1, s15;
	p5 =	por p2, !p5;
	_ =	strace $0x90000051  }
0x29: {  	s23 =	sadd.s32 @p5 $0x3, s22;
	_ =	strace @p5 $0x80000052  }
0x2a: {  	_ =	swait.ge @p5 [sflag:s23], $0x1000  }
0x2b: {  	[sflag:s23] =	ssyncset.done @p5 $0x0  }
0x2c: {  	[sflag:s23] =	ssyncadd.s32 @p5 $0xFFFFF000  }
0x2d: {  	s21 =	sshll.u32 s26, $0xC;
	_ =	strace @p5 $0x90000052  }
0x2e: {  	s30 =	sor.u32 $0x20, s21;
	s22 =	sshll.u32 s22, $0xC;
	_ =	strace $0x80000053  }
0x2f: {  	s23 =	sor.u32 $0x2020, s22;
	v5 =	vld [tilespmem:s30+$0x10]  }
0x30: {  	v6 =	vld [tilespmem:s23+$0x10]  }
0x31: {  	s24 =	simm.s32 $0x1;
	v1 =	vld [tilespmem:s23+$0xFFFFFFE0]  }
0x32: {  	s24 =	simm.s32 @!p4 $0x0;
	v0 =	vld [tilespmem:s30+$0xFFFFFFF0]  }
0x33: {  	s16 =	sadd.s32 s24, s16;
	v3 =	vld [tilespmem:s23+$0xFFFFFFF0]  }
0x34: {  	s25 =	simm.s32 $0x0;
	s21 =	sand.u32 $0x1, s14;
	s22 =	simm.s32 $0x1;
	v2 =	vld [tilespmem:s30+$0x0]  }
0x35: {  	s31 =	sshll.u32 s21, $0xC;
	s26 =	sadd.s32 $0x40, s30;
	s22 =	simm.s32 @!p3 $0x0;
	v4 =	vld [tilespmem:s23+$0x0];
	v6 =	vadd.f32 v6, v5  }
0x36: {  	s24 =	sor.u32 $0x4020, s31;
	s18 =	sadd.s32 s22, s18;
	s22 =	sor.u32 $0x4000, s31;
	v5 =	vld [tilespmem:s30+$0xFFFFFFE0]  }
.LBB2_3:
0x37: {  	v7 =	vld [tilespmem:s26+$0x10];
	[tilespmem:s24+$0x10] =	vst v6;
	s23 =	sadd.s32 $0x40, s23  }
0x38: {  	s25 =	sadd.s32 $0x40, s25;
	v6 =	vld [tilespmem:s23+$0x10];
	v3 =	vadd.f32 v3, v0  }
0x39: {  	p3 =	slt.u32 s25, $0xFC0;
	v8 =	vld [tilespmem:s23+$0xFFFFFFE0]  }
.Ltmp0:
0x3a: {  	v0 =	vld [tilespmem:s26+$0xFFFFFFF0];
	[tilespmem:s24+$0xFFFFFFF0] =	vst v3;
	v4 =	vadd.f32 v4, v2;
	(pc) =	sbr.rel @p3 .LBB2_3-.Ltmp0, $4  }
0x3b: {  	v3 =	vld [tilespmem:s23+$0xFFFFFFF0];
	v9 =	vadd.f32 v1, v5  }
0x3c: {  	v2 =	vld [tilespmem:s26+$0x0];
	[tilespmem:s24+$0x0] =	vst v4  }
0x3d: {  	v4 =	vld [tilespmem:s23+$0x0];
	v6 =	vadd.f32 v6, v7;
	[tilespmem:s24+$0xFFFFFFE0] =	vst v9  }
0x3e: {  	s24 =	sadd.s32 $0x40, s24;
	v5 =	vld [tilespmem:s26+$0xFFFFFFE0];
	s26 =	sadd.s32 $0x40, s26;
	v1 =	vmov v8  }
0x3f: {  	_ =	sdelay $0x1  }
0x40: {  	v0 =	vadd.f32 v3, v0  }
0x41: {  	[tilespmem:s24+$0x10] =	vst v6;
	v2 =	vadd.f32 v4, v2  }
0x42: {  	p3 =	seq.s32 s19, $0xFF;
	[tilespmem:s24+$0xFFFFFFF0] =	vst v0;
	v63 =	vadd.f32 v1, v5  }
0x43: {  	p1 =	por p3, p1;
	[tilespmem:s24+$0x0] =	vst v2  }
0x44: {  	s20 =	sshll.u32 @p1 s20, $0x9;
	[tilespmem:s24+$0xFFFFFFE0] =	vst v63  }
0x45: {  	s21 =	sadd.s32 @p1 $0x5, s21;
	s20 =	sand.u32 @p1 $0x1FFFFE00, s20;
	_ =	strace $0x90000053  }
0x46: {  	s23 =	simm.s32 @p1 $0x0;
	s20 =	sadd.s32 @p1 s5, s20;
	_ =	strace @p1 $0x80000054  }
0x47: {  	[hbm4b:s20+s23] =	stream.linear.scatter @p1 [tilespmem:s22], [sflag:s21], $0x1000, $0x200038;
	[tilespmem:$0x6000] =	vst v63  }
0x48: {  	p0 =	por p3, p0;
	s20 =	sand.u32 @!p2 $0x1, s12;
	s21 =	simm.s32 $0x1  }
0x49: {  	s22 =	simm.s32 $0x1;
	_ =	strace @p1 $0x90000054;
	s20 =	sadd.s32 @!p2 $0x5, s20  }
0x4a: {  	s21 =	simm.s32 @!p1 $0x0;
	p1 =	sne.s32 s19, $0x0;
	s19 =	sadd.s32 $0x1, s19  }
0x4b: {  	s22 =	simm.s32 @!p0 $0x0;
	_ =	strace @!p2 $0x80000055;
	p0 =	sne.s32 s19, $0x100  }
.Ltmp1:
0x4c: {  	_ =	swait.ge @!p2 [sflag:s20], $0x1000;
	(pc) =	sbr.rel @p0 .LBB2_2-.Ltmp1, $4  }
0x4d: {  	[sflag:s20] =	ssyncset.done @!p2 $0x0  }
0x4e: {  	[sflag:s20] =	ssyncadd.s32 @!p2 $0xFFFFF000;
	s20 =	simm.s32 $0x1  }
0x4f: {  	s14 =	sadd.s32 s21, s14;
	s17 =	sadd.s32 s21, s17;
	s20 =	simm.s32 @!p1 $0x0  }
0x50: {  	s15 =	sadd.s32 s22, s15;
	_ =	strace @!p2 $0x90000055;
	s12 =	sadd.s32 s20, s12  }
0x51: {  	s11 =	sadd.s32 $0x1, s11  }
0x52: {  	s12 =	sand.u32 $0x1, s12;
	p0 =	sne.s32 s11, s9  }
.Ltmp2:
0x53: {  	_ =	strace $0x80000056;
	s12 =	sadd.s32 $0x5, s12;
	(pc) =	sbr.rel @p0 .LBB2_1-.Ltmp2, $4  }
0x54: {  	_ =	swait.ge [sflag:s12], $0x1000  }
0x55: {  	[sflag:s12] =	ssyncset.done $0x0  }
0x56: {  	[sflag:s12] =	ssyncadd.s32 $0xFFFFF000  }
0x57: {  	_ =	strace $0x90000056  }
0x58: {  	_ =	sfence.sel $0x180000  }
0x59: {  	[bflag:$0x0] =	sbarrier.arrive $0xFFFF  }
0x5a: {  	p0 =	sne.s32 s3, $0x0;
	_ =	strace $0x9000004D  }
0x5b: {  	s0 =	sadd.s32 @!p0 $0x100000, s0;
	[bflag:$0x2] =	sbarrier.arrive $0xFFFF  }
0x5c: {  	[sflag:s0] =	ssyncadd.tile.s32 @!p0 $0x1;
	_ =	shalt  }
.Lfunc_end2:
_tile_overlayer_lowered:
.L_overlay_start_2:
0x5d: {  	(tag) =	ssettag $0x2  }
0x5e: {  	s0 =	rddreg [dreg:$0x0];
	s2 =	stileid.u32  }
0x5f: {  	s1 =	rddreg [dreg:$0x1];
	p0 =	sne.s32 s2, $0x0  }
0x60: {  	s3 =	rddreg [dreg:$0x2];
	[bflag:$0x3] =	sbarrier.arrive $0xFFFF;
	s2 =	simm.s32 @!p0 $0x1C01  }
0x61: {  	[timem:s3], [sflag:s2] =	dma.local @!p0 [hbm:s0], s1  }
0x62: {  	s0 =	simm.s32 @!p0 $0x1  }
0x63: {  	_ =	swait.ge @!p0 [sflag:s0], s1  }
0x64: {  	s1 =	ssub.s32 @!p0 $0x0, s1;
	[sflag:s0] =	ssyncset.done @!p0 $0x0  }
0x65: {  	[sflag:s0] =	ssyncadd.s32 @!p0 s1  }
0x66: {  	[bflag:$0x3] =	sbarrier.arrive $0xFFFF  }
0x67: {  	_ =	shalt  }

// kernel: sparse-core-data-format-call.1.cloned.1.call-start
scs
called_computation.1_lowered:
.L_overlay_start_0:
0x0: {  	s2 =	sld [smem:$0x3FD9]  }
0x1: {  	s3 =	sld [smem:$0x3FFE];
	_ =	sdelay $0x1  }
0x2: {  	s1 =	srdreg.scid  }
0x3: {  	s0 =	sand.u32 $0x1, s1  }
0x4: {  	s19 =	sshll.u32 s0, $0xA;
	s2 =	sadd.s32 s3, s2  }
0x5: {  	s2 =	sadd.s32 s2, s19  }
0x6: {  	[smem:$0x3FC6] =	sst s2  }
0x7: {  	_ = 	snop  }
0x8: {  	s20 =	sld [smem:$0x3FC9]  }
0x9: {  	s4 =	sld [smem:$0x3FD0];
	(tm) =	ssettm $0x1  }
0xa: {  	s21 =	sld [smem:$0x3FFB];
	_ =	sdelay $0x3  }
0xb: {  	_ =	strace s21  }
0xc: {  	s2 =	sld [smem:$0x3FFC];
	_ =	sdelay $0x3  }
0xd: {  	_ =	strace s2  }
0xe: {  	s2 =	sld [smem:$0x3FFD];
	_ =	sdelay $0x3  }
0xf: {  	_ =	strace s2  }
0x10: {  	_ =	strace $0x8FFFFFFF  }
0x11: {  	s22 =	sld [smem:$0x3FDB];
	_ =	sdelay $0x1  }
0x12: {  	s5 =	simm.s32 $_scs_section_size  }
0x13: {  	s6 =	simm.s32 $_size__tile_overlayer_lowered;
	s7 =	simm.s32 $_tile_overlayer_lowered  }
0x14: {  	s8 =	simm.s32 $0x1BFF;
	s23 =	sshll.u32 s7, $0x1;
	s5 =	sadd.s32 s5, s22  }
0x15: {  	s24 =	simm.s32 $0x0;
	s6 =	sshll.u32 s6, $0x1;
	s7 =	sadd.s32 s23, s5  }
0x16: {  	[timem:s24], [sflag:s8] =	dma.local [hbm:s7], s6  }
0x17: {  	_ =	swait.ge [sflag:s8], s6  }
0x18: {  	s6 =	ssub.s32 $0x0, s6;
	[sflag:s8] =	ssyncset.done $0x0  }
0x19: {  	[sflag:s8] =	ssyncadd.s32 s6;
	_ =	sdelay $0x1  }
0x1a: {  	s25 =	simm.s32 $0x1B8B  }
0x1b: {  	_ =	swait.ge [sflag:s25], $0x1  }
0x1c: {  	[sflag:s25] =	ssyncset.done $0x0  }
0x1d: {  	[sflag:s25] =	ssyncadd.s32 $0xFFFFFFFF  }
0x1e: {  	s6 =	sld [smem:$0x0]  }
0x1f: {  	s7 =	sand.u32 $0xFFFFFFFE, s1  }
0x20: {  	p0 =	sne.s32 s1, s7  }
0x21: {  	s7 =	sshll.u32 @p0 s7, $0xE  }
0x22: {  	s7 =	sadd.s32 @p0 $0x11B8D, s7;
	s8 =	sshll.u32 @p0 s6, $0x11  }
0x23: {  	s7 =	sor.u32 @p0 s8, s7  }
0x24: {  	[sflag:s7] =	ssyncadd.remote.s32 @p0 $0x1;
	_ =	sdelay $0x1  }
0x25: {  	s7 =	simm.s32 @p0 $0x1B8D  }
0x26: {  	_ =	swait.eq @p0 [sflag:s7], $0x1  }
0x27: {  	[sflag:s7] =	ssyncadd.s32 @p0 $0xFFFFFFFF  }
0x28: {  	s8 =	sshll.u32 @!p0 s1, $0xE  }
0x29: {  	s8 =	sor.u32 @!p0 $0x4000, s8;
	s7 =	simm.s32 @!p0 $0x1B8D  }
0x2a: {  	s6 =	sshll.u32 @!p0 s6, $0x11;
	s8 =	sadd.s32 @!p0 $0x11B8D, s8;
	_ =	swait.eq @!p0 [sflag:s7], $0x1  }
0x2b: {  	s6 =	sor.u32 @!p0 s6, s8;
	[sflag:s7] =	ssyncadd.s32 @!p0 $0xFFFFFFFF  }
0x2c: {  	s26 =	simm.s32 $0x1B8E;
	[sflag:s6] =	ssyncadd.remote.s32 @!p0 $0x1  }
0x2d: {  	s27 =	simm.s32 $execute0_lowered;
	[smem:$0x3FD2] =	sst s26  }
0x2e: {  	s6 =	sshll.u32 s27, $0x1;
	_ =	strace $0x80000049;
	[dreg:$0x1] =	wrdreg $0xFFFFFFFF  }
0x2f: {  	s28 =	simm.s32 $_size_execute0_lowered;
	s5 =	sadd.s32 s5, s6;
	[dreg:$0x0] =	wrdreg $0x0  }
0x30: {  	s6 =	sshll.u32 s28, $0x1;
	[dreg:$0x2] =	wrdreg s5  }
0x31: {  	[dreg:$0x3] =	wrdreg s6  }
0x32: {  	[dreg:$0x4] =	wrdreg $0xC0  }
0x33: {  	_ =	task [dreg:s24], $0x5FFFF  }
0x34: {  	[dreg:$0x1] =	wrdreg $0xFFFFFFFF  }
0x35: {  	[dreg:$0x0] =	wrdreg $0x60  }
0x36: {  	[dreg:$0x2] =	wrdreg s20  }
0x37: {  	[dreg:$0x3] =	wrdreg s4  }
0x38: {  	[dreg:$0x4] =	wrdreg $0xA  }
0x39: {  	_ =	task.clear_ibuf [dreg:s24], $0x5FFFF;
	_ =	strace $0x90000049  }
0x3a: {  	s29 =	simm.s32 $0xA;
	_ =	strace $0x8000004B  }
0x3b: {  	_ =	swait.ge [sflag:s29], $0x1  }
0x3c: {  	[sflag:s29] =	ssyncadd.s32 $0xFFFFFFFF  }
0x3d: {  	_ =	strace $0x9000004B  }
0x3e: {  	_ =	sfence  }
0x3f: {  	s30 =	sld [smem:$0x0];
	_ =	sdelay $0x2  }
0x40: {  	s31 =	sshll.u32 s1, $0xD;
	s1 =	sshrl.u32 s1, $0x2  }
0x41: {  	s4 =	sand.u32 $0x4000, s31;
	s1 =	sadd.s32 s1, s30  }
0x42: {  	s0 =	sor.u32 s4, s0;
	s1 =	sshll.u32 s1, $0x11  }
0x43: {  	s0 =	sor.u32 s1, s0  }
0x44: {  	s0 =	sadd.s32 $0x8F2B, s0  }
0x45: {  	[sflag:s0] =	ssyncadd.remote.s32 $0x1  }
0x46: {  	_ =	sfence.sel $0xFFFF  }
0x47: {  	[dreg:$0x0] =	wrdreg $0xFFFFFFFF;
	(pc) =	sbr.abs _section_cstart, $3  }
0x48: {  	[dreg:$0x1] =	wrdreg $0xFFFFFFFF  }
0x49: {  	_ =	task.clear_ibuf [dreg:s24], $0x2FFFF;
	_ =	strace $0x9FFFFFFF  }
0x4a: {  	(tm) =	ssettm $0x7FFFFFFF  }
0x4b: {  	_ =	shalt  }
tec
execute0_lowered:
.L_overlay_start_1:
0x0: {  	(tag) =	ssettag $0x1  }
0x1: {  	s0 =	srdreg.scid  }
0x2: {  	s1 =	sshll.u32 s0, $0x4  }
0x3: {  	s2 =	rddreg [dreg:$0x0];
	s0 =	stileid.u32;
	s1 =	sand.u32 $0x10, s1  }
0x4: {  	s4 =	rddreg [dreg:$0x1];
	s1 =	sor.u32 s0, s1  }
0x5: {  	s7 =	simm.s32 $0x1;
	s8 =	simm.s32 $0x2;
	s3 =	sshll.u32 s1, $0x1  }
0x6: {  	s9 =	simm.s32 $0x0;
	s12 =	simm.s32 $0x0;
	s6 =	ssub.s32 $0x1000, s3  }
.Ltmp0:
0x7: {  	s11 =	simm.s32 $0x0;
	s5 =	sand.u32 $0x3E, s6;
	(pc) =	sbr.rel .LBB1_1-.Ltmp0, $4  }
0x8: {  	s1 =	rddreg [dreg:$0x2];
	_ =	strace $0x8000004A;
	p0 =	sne.s32 s5, $0x0  }
0x9: {  	s6 =	sshrl.u32 s6, $0x6;
	s5 =	simm.s32 $0x1;
	s7 =	simm.s32 @!p0 $0x0  }
0xa: {  	s10 =	smov.u32 s3;
	[sflag:s5] =	ssyncpa.u1 $0x0;
	s6 =	sadd.s32 s7, s6  }
0xb: {  	[sflag:s8] =	ssyncpa.u1 $0x0;
	s8 =	simm.s32 $0x0;
	s7 =	sadd.s32 $0x1, s6  }
.LBB1_9:
0xc: {  	s14 =	sadd.s32 $0x40, s10  }
0xd: {  	p1 =	sgt.s32 s14, $0xFFF  }
0xe: {  	s14 =	smov.u32 @p1 s3;
	p1 =	sne.s32 s11, s7  }
.Ltmp1:
0xf: {  	p0 =	slt.u32 s11, $0x2;
	(pc) =	sbr.rel @!p1 .LBB1_10-.Ltmp1, $4  }
0x10: {  	s13 =	simm.s32 @!p0 $0x2  }
0x11: {  	s15 =	sadd.s32 $0x1, s11;
	_ =	swait.ge @!p0 [sflag:s13], $0x4000  }
0x12: {  	s12 =	smov.u32 s10;
	s9 =	sadd.s32 $0x4000, s9;
	[sflag:s13] =	ssyncset.done @!p0 $0x0  }
0x13: {  	s11 =	smov.u32 s15;
	s10 =	smov.u32 s14;
	[sflag:s13] =	ssyncadd.s32 @!p0 $0xFFFFC000  }
.LBB1_1:
0x14: {  	p0 =	sge.u32 s11, s6  }
0x15: {  	s13 =	sxor.u32 @!p0 $0xFFFFFFFF, s11  }
0x16: {  	s31 =	sadd.s32 $0xFFFFFFFF, s11;
	s14 =	sshll.u32 @!p0 s10, $0xA;
	s13 =	sshll.u32 @!p0 s13, $0xE  }
0x17: {  	s15 =	simm.s32 @!p0 $0x0;
	s14 =	sadd.s32 @!p0 s2, s14;
	s13 =	sand.u32 @!p0 $0x4000, s13  }
0x18: {  	[tilespmem:s13], [sflag:$0x1] =	stream.linear.gather @!p0 [hbm4b:s14+s15], $0x4000, $0x38;
	[tilespmem:$0x10000] =	vst v63  }
0x19: {  	p0 =	sge.u32 s31, s6  }
.Ltmp2:
0x1a: {  	_ = 	snop;
	(pc) =	sbr.rel @p0 .LBB1_9-.Ltmp2, $1  }
0x1b: {  	_ =	sdelay $0x3  }
0x1c: {  	s13 =	sshll.u32 s9, $0x2  }
0x1d: {  	_ =	swait.ge [sflag:s5], $0x4000;
	s14 =	sshll.u32 s11, $0xE;
	s16 =	simm.s32 $0x0  }
0x1e: {  	p1 =	por $0x1, $0x1;
	s13 =	sand.u32 $0x10000, s13;
	[sflag:s5] =	ssyncset.done $0x0  }
0x1f: {  	s14 =	sand.u32 $0x4000, s14;
	s15 =	sshrl.u32 s13, $0x2;
	[sflag:s5] =	ssyncadd.s32 $0xFFFFC000  }
0x20: {  	s13 =	sor.u32 $0x8000, s14;
	s14 =	sadd.s32 $0x8040, s15;
	s15 =	sadd.s32 $0x40, s15  }
.LBB1_3:
0x21: {  	s16 =	sshll.u32 s16, $0x2  }
0x22: {  	p0 =	por p1, p1;
	s17 =	sshra.s32 s16, $0x2  }
0x23: {  	s18 =	simm.s32 $0x0;
	s16 =	sadd.s32 s17, s14;
	s17 =	sadd.s32 s17, s15  }
.LBB1_4:
0x24: {  	v0 =	vmov s17;
	_ =	sdelay $0x3  }
0x25: {  	s20 =	simm.s32 $0x0  }
0x26: {  	v6 =	vld.idx.msk [tilespmem:v0+s20+$0x30 ss:$0x1], $0xffff  }
0x27: {  	v7 =	vld.idx.msk [tilespmem:v0+s20+$0xFFFFFFC0 ss:$0x1], $0xffff  }
0x28: {  	v5 =	vld.idx.msk [tilespmem:v0+s20+$0xFFFFFFD0 ss:$0x1], $0xffff  }
0x29: {  	v4 =	vld.idx.msk [tilespmem:v0+s20+$0xFFFFFFE0 ss:$0x1], $0xffff  }
0x2a: {  	v3 =	vld.idx.msk [tilespmem:v0+s20+$0xFFFFFFF0 ss:$0x1], $0xffff  }
0x2b: {  	v1 =	vld.idx.msk [tilespmem:v0+s20+$0x0 ss:$0x1], $0xffff  }
0x2c: {  	v2 =	vld.idx.msk [tilespmem:v0+s20+$0x10 ss:$0x1], $0xffff;
	[tilespmem:s16+$0x30] =	vst v6  }
0x2d: {  	s19 =	simm.s32 $0x80;
	s21 =	simm.s32 $0x400;
	[tilespmem:s16+$0xFFFFFFC0] =	vst v7;
	v6 =	vld.idx.msk [tilespmem:v0+s20+$0x20 ss:$0x1], $0xffff;
	s20 =	smov.u32 s16  }
.LBB1_5:
0x2e: {  	p1 =	sne.s32 s21, $0xE00;
	v7 =	vld.idx.msk [tilespmem:v0+s19+$0x30 ss:$0x1], $0xffff;
	[tilespmem:s20+$0xFFFFFFD0] =	vst v5  }
0x2f: {  	v8 =	vld.idx.msk [tilespmem:v0+s19+$0xFFFFFFC0 ss:$0x1], $0xffff;
	[tilespmem:s20+$0xFFFFFFE0] =	vst v4  }
0x30: {  	v5 =	vld.idx.msk [tilespmem:v0+s19+$0xFFFFFFD0 ss:$0x1], $0xffff;
	[tilespmem:s20+$0xFFFFFFF0] =	vst v3  }
.Ltmp3:
0x31: {  	v4 =	vld.idx.msk [tilespmem:v0+s19+$0xFFFFFFE0 ss:$0x1], $0xffff;
	[tilespmem:s20+$0x0] =	vst v1;
	(pc) =	sbr.rel @p1 .LBB1_5-.Ltmp3, $4  }
0x32: {  	v3 =	vld.idx.msk [tilespmem:v0+s19+$0xFFFFFFF0 ss:$0x1], $0xffff;
	[tilespmem:s20+$0x10] =	vst v2  }
0x33: {  	v1 =	vld.idx.msk [tilespmem:v0+s19+$0x0 ss:$0x1], $0xffff;
	[tilespmem:s20+$0x20] =	vst v6;
	s20 =	sadd.s32 $0x400, s20  }
0x34: {  	v2 =	vld.idx.msk [tilespmem:v0+s19+$0x10 ss:$0x1], $0xffff;
	[tilespmem:s20+$0x30] =	vst v7  }
0x35: {  	[tilespmem:s20+$0xFFFFFFC0] =	vst v8;
	v6 =	vld.idx.msk [tilespmem:v0+s19+$0x20 ss:$0x1], $0xffff;
	s19 =	sshra.s32 s21, $0x2;
	s21 =	sadd.s32 $0x200, s21  }
0x36: {  	_ =	sdelay $0x2  }
0x37: {  	[tilespmem:s20+$0xFFFFFFD0] =	vst v5  }
0x38: {  	v56 =	vld.idx.msk [tilespmem:v0+s19+$0x30 ss:$0x1], $0xffff;
	[tilespmem:s20+$0xFFFFFFE0] =	vst v4  }
0x39: {  	v57 =	vld.idx.msk [tilespmem:v0+s19+$0xFFFFFFC0 ss:$0x1], $0xffff;
	[tilespmem:s20+$0xFFFFFFF0] =	vst v3  }
0x3a: {  	v58 =	vld.idx.msk [tilespmem:v0+s19+$0xFFFFFFD0 ss:$0x1], $0xffff;
	[tilespmem:s20+$0x0] =	vst v1  }
0x3b: {  	v59 =	vld.idx.msk [tilespmem:v0+s19+$0xFFFFFFE0 ss:$0x1], $0xffff;
	[tilespmem:s20+$0x10] =	vst v2  }
0x3c: {  	v60 =	vld.idx.msk [tilespmem:v0+s19+$0xFFFFFFF0 ss:$0x1], $0xffff;
	s31 =	sadd.s32 $0x400, s20;
	[tilespmem:s20+$0x20] =	vst v6  }
0x3d: {  	v61 =	vld.idx.msk [tilespmem:v0+s19+$0x0 ss:$0x1], $0xffff;
	[tilespmem:s31+$0x30] =	vst v56  }
0x3e: {  	v62 =	vld.idx.msk [tilespmem:v0+s19+$0x10 ss:$0x1], $0xffff;
	s18 =	sadd.s32 $0x1, s18;
	[tilespmem:s31+$0xFFFFFFC0] =	vst v57  }
0x3f: {  	v63 =	vld.idx.msk [tilespmem:v0+s19+$0x20 ss:$0x1], $0xffff;
	p1 =	sne.s32 s18, $0x8;
	[tilespmem:s31+$0xFFFFFFD0] =	vst v58  }
.Ltmp4:
0x40: {  	[tilespmem:s31+$0xFFFFFFE0] =	vst v59;
	(pc) =	sbr.rel @p1 .LBB1_4-.Ltmp4, $4  }
0x41: {  	[tilespmem:s31+$0xFFFFFFF0] =	vst v60  }
0x42: {  	[tilespmem:s31+$0x0] =	vst v61  }
0x43: {  	[tilespmem:s31+$0x10] =	vst v62  }
0x44: {  	s16 =	sadd.s32 $0x80, s16;
	s17 =	sadd.s32 $0x400, s17;
	[tilespmem:s31+$0x20] =	vst v63  }
.Ltmp5:
0x45: {  	(pc) =	sbr.rel @p0 .LBB1_3-.Ltmp5, $2  }
0x46: {  	_ =	sdelay $0x2  }
0x47: {  	s16 =	simm.s32 $0x2000;
	p1 =	por $0x0, $0x0  }
.Ltmp6:
0x48: {  	(pc) =	sbr.rel .LBB1_9-.Ltmp6, $4  }
0x49: {  	_ = 	snop  }
0x4a: {  	s12 =	sshll.u32 s12, $0xA  }
0x4b: {  	s12 =	sadd.s32 s4, s12  }
0x4c: {  	[hbm4b:s12+s8] =	stream.linear.scatter [tilespmem:s13], [sflag:$0x2], $0x4000, $0x38;
	[tilespmem:$0x10000] =	vst v63  }
.LBB1_10:
0x4d: {  	_ =	sfence.sel $0x180000  }
0x4e: {  	s2 =	simm.s32 $0x1;
	[bflag:$0x0] =	sbarrier.arrive $0xFFFF  }
0x4f: {  	s31 =	simm.s32 $0x2;
	[sflag:s2] =	ssyncpa.u1 $0x1  }
0x50: {  	[sflag:s31] =	ssyncpa.u1 $0x1  }
0x51: {  	p0 =	sne.s32 s0, $0x0;
	_ =	strace $0x9000004A  }
0x52: {  	s0 =	sadd.s32 @!p0 $0x100000, s1;
	[bflag:$0x2] =	sbarrier.arrive $0xFFFF  }
0x53: {  	[sflag:s0] =	ssyncadd.tile.s32 @!p0 $0x1;
	_ =	shalt  }
.Lfunc_end1:
_tile_overlayer_lowered:
.L_overlay_start_2:
0x54: {  	(tag) =	ssettag $0x2  }
0x55: {  	s0 =	rddreg [dreg:$0x0];
	s2 =	stileid.u32  }
0x56: {  	s1 =	rddreg [dreg:$0x1];
	p0 =	sne.s32 s2, $0x0  }
0x57: {  	s3 =	rddreg [dreg:$0x2];
	[bflag:$0x3] =	sbarrier.arrive $0xFFFF;
	s2 =	simm.s32 @!p0 $0x1C01  }
0x58: {  	[timem:s3], [sflag:s2] =	dma.local @!p0 [hbm:s0], s1  }
0x59: {  	s0 =	simm.s32 @!p0 $0x1  }
0x5a: {  	_ =	swait.ge @!p0 [sflag:s0], s1  }
0x5b: {  	s1 =	ssub.s32 @!p0 $0x0, s1;
	[sflag:s0] =	ssyncset.done @!p0 $0x0  }
0x5c: {  	[sflag:s0] =	ssyncadd.s32 @!p0 s1  }
0x5d: {  	[bflag:$0x3] =	sbarrier.arrive $0xFFFF  }
0x5e: {  	_ =	shalt  }

// kernel: sparse-core-data-format-call.cloned.1.call-start
scs
called_computation_lowered:
.L_overlay_start_0:
0x0: {  	s2 =	sld [smem:$0x3FD9]  }
0x1: {  	s3 =	sld [smem:$0x3FFE];
	_ =	sdelay $0x1  }
0x2: {  	s1 =	srdreg.scid  }
0x3: {  	s0 =	sand.u32 $0x1, s1  }
0x4: {  	s18 =	sshll.u32 s0, $0xA;
	s2 =	sadd.s32 s3, s2  }
0x5: {  	s2 =	sadd.s32 s2, s18  }
0x6: {  	[smem:$0x3FC6] =	sst s2  }
0x7: {  	_ = 	snop  }
0x8: {  	s2 =	sld [smem:$0x3FC8];
	(tm) =	ssettm $0x1  }
0x9: {  	s19 =	sld [smem:$0x3FFB];
	_ =	sdelay $0x3  }
0xa: {  	_ =	strace s19  }
0xb: {  	s3 =	sld [smem:$0x3FFC];
	_ =	sdelay $0x3  }
0xc: {  	_ =	strace s3  }
0xd: {  	s3 =	sld [smem:$0x3FFD];
	_ =	sdelay $0x3  }
0xe: {  	_ =	strace s3  }
0xf: {  	_ =	strace $0x8FFFFFFF  }
0x10: {  	s20 =	sld [smem:$0x3FDB];
	_ =	sdelay $0x1  }
0x11: {  	s4 =	simm.s32 $_scs_section_size  }
0x12: {  	s5 =	simm.s32 $_size__tile_overlayer_lowered;
	s6 =	simm.s32 $_tile_overlayer_lowered  }
0x13: {  	s23 =	simm.s32 $0x1BFF;
	s22 =	sshll.u32 s6, $0x1;
	s3 =	sadd.s32 s4, s20  }
0x14: {  	s7 =	simm.s32 $0x0;
	s21 =	sshll.u32 s5, $0x1;
	s5 =	sadd.s32 s22, s3  }
0x15: {  	[timem:s7], [sflag:s23] =	dma.local [hbm:s5], s21  }
0x16: {  	_ =	swait.ge [sflag:s23], s21  }
0x17: {  	s4 =	ssub.s32 $0x0, s21;
	[sflag:s23] =	ssyncset.done $0x0  }
0x18: {  	[sflag:s23] =	ssyncadd.s32 s4;
	_ =	sdelay $0x1  }
0x19: {  	s24 =	simm.s32 $0x1B8B  }
0x1a: {  	_ =	swait.ge [sflag:s24], $0x1  }
0x1b: {  	[sflag:s24] =	ssyncset.done $0x0  }
0x1c: {  	s26 =	simm.s32 $0x1B8E;
	s25 =	sld [smem:$0x3FFE];
	[sflag:s24] =	ssyncadd.s32 $0xFFFFFFFF  }
0x1d: {  	s27 =	simm.s32 $execute0_lowered;
	[smem:$0x3FD2] =	sst s26  }
0x1e: {  	s5 =	sshll.u32 s27, $0x1;
	_ =	strace $0x80000046;
	[dreg:$0x1] =	wrdreg $0xFFFFFFFF  }
0x1f: {  	s28 =	simm.s32 $_size_execute0_lowered;
	s3 =	sadd.s32 s3, s5;
	[dreg:$0x0] =	wrdreg $0x0  }
0x20: {  	s5 =	sshll.u32 s28, $0x1;
	[dreg:$0x2] =	wrdreg s3  }
0x21: {  	[dreg:$0x3] =	wrdreg s5  }
0x22: {  	[dreg:$0x4] =	wrdreg $0xC0  }
0x23: {  	_ =	task [dreg:s7], $0x5FFFF  }
0x24: {  	[dreg:$0x1] =	wrdreg $0xFFFFFFFF  }
0x25: {  	[dreg:$0x0] =	wrdreg $0x60  }
0x26: {  	[dreg:$0x2] =	wrdreg s2  }
0x27: {  	[dreg:$0x3] =	wrdreg s25  }
0x28: {  	[dreg:$0x4] =	wrdreg $0x9  }
0x29: {  	_ =	task.clear_ibuf [dreg:s7], $0x5FFFF;
	_ =	strace $0x90000046  }
0x2a: {  	s29 =	simm.s32 $0x9;
	_ =	strace $0x80000048  }
0x2b: {  	_ =	swait.ge [sflag:s29], $0x1  }
0x2c: {  	[sflag:s29] =	ssyncadd.s32 $0xFFFFFFFF  }
0x2d: {  	_ =	strace $0x90000048  }
0x2e: {  	_ =	sfence  }
0x2f: {  	s30 =	sld [smem:$0x0];
	_ =	sdelay $0x2  }
0x30: {  	s31 =	sshll.u32 s1, $0xD;
	s1 =	sshrl.u32 s1, $0x2  }
0x31: {  	s3 =	sand.u32 $0x4000, s31;
	s1 =	sadd.s32 s1, s30  }
0x32: {  	s0 =	sor.u32 s3, s0;
	s1 =	sshll.u32 s1, $0x11  }
0x33: {  	s0 =	sor.u32 s1, s0  }
0x34: {  	s0 =	sadd.s32 $0x8F2B, s0  }
0x35: {  	[sflag:s0] =	ssyncadd.remote.s32 $0x1  }
0x36: {  	_ =	sfence.sel $0xFFFF  }
0x37: {  	[dreg:$0x0] =	wrdreg $0xFFFFFFFF;
	(pc) =	sbr.abs _section_cstart, $3  }
0x38: {  	[dreg:$0x1] =	wrdreg $0xFFFFFFFF  }
0x39: {  	_ =	task.clear_ibuf [dreg:s7], $0x2FFFF;
	_ =	strace $0x9FFFFFFF  }
0x3a: {  	(tm) =	ssettm $0x7FFFFFFF  }
0x3b: {  	_ =	shalt  }
tec
execute0_lowered:
.L_overlay_start_1:
0x0: {  	(tag) =	ssettag $0x1  }
0x1: {  	s0 =	srdreg.scid  }
0x2: {  	s1 =	sshll.u32 s0, $0x4  }
0x3: {  	s2 =	rddreg [dreg:$0x0];
	s0 =	stileid.u32;
	s1 =	sand.u32 $0x10, s1  }
0x4: {  	s4 =	rddreg [dreg:$0x1];
	s7 =	simm.s32 $0x1;
	s1 =	sor.u32 s0, s1  }
0x5: {  	s8 =	simm.s32 $0x2;
	s9 =	simm.s32 $0x0;
	s3 =	sshll.u32 s1, $0x1  }
0x6: {  	s12 =	simm.s32 $0x0;
	s11 =	simm.s32 $0x0;
	s6 =	ssub.s32 $0x400, s3  }
.Ltmp0:
0x7: {  	s4 =	sadd.s32 $0xC00, s4;
	s5 =	sand.u32 $0x3E, s6;
	(pc) =	sbr.rel .LBB1_1-.Ltmp0, $4  }
0x8: {  	s1 =	rddreg [dreg:$0x2];
	_ =	strace $0x80000047;
	p0 =	sne.s32 s5, $0x0  }
0x9: {  	s6 =	sshrl.u32 s6, $0x6;
	s5 =	simm.s32 $0x1;
	s7 =	simm.s32 @!p0 $0x0  }
0xa: {  	s10 =	smov.u32 s3;
	[sflag:s5] =	ssyncpa.u1 $0x0;
	s6 =	sadd.s32 s7, s6  }
0xb: {  	[sflag:s8] =	ssyncpa.u1 $0x0;
	s8 =	simm.s32 $0x0;
	s7 =	sadd.s32 $0x1, s6  }
.LBB1_9:
0xc: {  	s14 =	sadd.s32 $0x40, s10  }
0xd: {  	p1 =	sgt.s32 s14, $0x3FF  }
0xe: {  	s14 =	smov.u32 @p1 s3;
	p1 =	sne.s32 s11, s7  }
.Ltmp1:
0xf: {  	p0 =	slt.u32 s11, $0x2;
	(pc) =	sbr.rel @!p1 .LBB1_10-.Ltmp1, $4  }
0x10: {  	s13 =	simm.s32 @!p0 $0x2  }
0x11: {  	s15 =	sadd.s32 $0x1, s11;
	_ =	swait.ge @!p0 [sflag:s13], $0x4000  }
0x12: {  	s12 =	smov.u32 s10;
	s9 =	sadd.s32 $0x4000, s9;
	[sflag:s13] =	ssyncset.done @!p0 $0x0  }
0x13: {  	s11 =	smov.u32 s15;
	s10 =	smov.u32 s14;
	[sflag:s13] =	ssyncadd.s32 @!p0 $0xFFFFC000  }
.LBB1_1:
0x14: {  	p0 =	sge.u32 s11, s6  }
0x15: {  	s13 =	sxor.u32 @!p0 $0xFFFFFFFF, s11  }
0x16: {  	s31 =	sadd.s32 $0xFFFFFFFF, s11;
	s14 =	sshll.u32 @!p0 s10, $0xA;
	s13 =	sshll.u32 @!p0 s13, $0xE  }
0x17: {  	s15 =	simm.s32 @!p0 $0x0;
	s14 =	sadd.s32 @!p0 s2, s14;
	s13 =	sand.u32 @!p0 $0x4000, s13  }
0x18: {  	[tilespmem:s13], [sflag:$0x1] =	stream.linear.gather @!p0 [hbm4b:s14+s15], $0x4000, $0x38;
	[tilespmem:$0x10000] =	vst v63  }
0x19: {  	p0 =	sge.u32 s31, s6  }
.Ltmp2:
0x1a: {  	_ = 	snop;
	(pc) =	sbr.rel @p0 .LBB1_9-.Ltmp2, $1  }
0x1b: {  	_ =	sdelay $0x3  }
0x1c: {  	s13 =	sshll.u32 s9, $0x2  }
0x1d: {  	_ =	swait.ge [sflag:s5], $0x4000;
	s14 =	sshll.u32 s11, $0xE;
	s16 =	simm.s32 $0x0  }
0x1e: {  	p1 =	por $0x1, $0x1;
	s13 =	sand.u32 $0x10000, s13;
	[sflag:s5] =	ssyncset.done $0x0  }
0x1f: {  	s14 =	sand.u32 $0x4000, s14;
	s15 =	sshrl.u32 s13, $0x2;
	[sflag:s5] =	ssyncadd.s32 $0xFFFFC000  }
0x20: {  	s13 =	sor.u32 $0x8000, s14;
	s14 =	sadd.s32 $0x8040, s15;
	s15 =	sadd.s32 $0x40, s15  }
.LBB1_3:
0x21: {  	s16 =	sshll.u32 s16, $0x2  }
0x22: {  	p0 =	por p1, p1;
	s17 =	sshra.s32 s16, $0x2  }
0x23: {  	s18 =	simm.s32 $0x0;
	s16 =	sadd.s32 s17, s14;
	s17 =	sadd.s32 s17, s15  }
.LBB1_4:
0x24: {  	v0 =	vmov s17;
	_ =	sdelay $0x3  }
0x25: {  	s20 =	simm.s32 $0x0  }
0x26: {  	v6 =	vld.idx.msk [tilespmem:v0+s20+$0x30 ss:$0x1], $0xffff  }
0x27: {  	v7 =	vld.idx.msk [tilespmem:v0+s20+$0xFFFFFFC0 ss:$0x1], $0xffff  }
0x28: {  	v5 =	vld.idx.msk [tilespmem:v0+s20+$0xFFFFFFD0 ss:$0x1], $0xffff  }
0x29: {  	v4 =	vld.idx.msk [tilespmem:v0+s20+$0xFFFFFFE0 ss:$0x1], $0xffff  }
0x2a: {  	v3 =	vld.idx.msk [tilespmem:v0+s20+$0xFFFFFFF0 ss:$0x1], $0xffff  }
0x2b: {  	v1 =	vld.idx.msk [tilespmem:v0+s20+$0x0 ss:$0x1], $0xffff  }
0x2c: {  	v2 =	vld.idx.msk [tilespmem:v0+s20+$0x10 ss:$0x1], $0xffff;
	[tilespmem:s16+$0x30] =	vst v6  }
0x2d: {  	s19 =	simm.s32 $0x80;
	s21 =	simm.s32 $0x400;
	[tilespmem:s16+$0xFFFFFFC0] =	vst v7;
	v6 =	vld.idx.msk [tilespmem:v0+s20+$0x20 ss:$0x1], $0xffff;
	s20 =	smov.u32 s16  }
.LBB1_5:
0x2e: {  	p1 =	sne.s32 s21, $0xE00;
	v7 =	vld.idx.msk [tilespmem:v0+s19+$0x30 ss:$0x1], $0xffff;
	[tilespmem:s20+$0xFFFFFFD0] =	vst v5  }
0x2f: {  	v8 =	vld.idx.msk [tilespmem:v0+s19+$0xFFFFFFC0 ss:$0x1], $0xffff;
	[tilespmem:s20+$0xFFFFFFE0] =	vst v4  }
0x30: {  	v5 =	vld.idx.msk [tilespmem:v0+s19+$0xFFFFFFD0 ss:$0x1], $0xffff;
	[tilespmem:s20+$0xFFFFFFF0] =	vst v3  }
.Ltmp3:
0x31: {  	v4 =	vld.idx.msk [tilespmem:v0+s19+$0xFFFFFFE0 ss:$0x1], $0xffff;
	[tilespmem:s20+$0x0] =	vst v1;
	(pc) =	sbr.rel @p1 .LBB1_5-.Ltmp3, $4  }
0x32: {  	v3 =	vld.idx.msk [tilespmem:v0+s19+$0xFFFFFFF0 ss:$0x1], $0xffff;
	[tilespmem:s20+$0x10] =	vst v2  }
0x33: {  	v1 =	vld.idx.msk [tilespmem:v0+s19+$0x0 ss:$0x1], $0xffff;
	[tilespmem:s20+$0x20] =	vst v6;
	s20 =	sadd.s32 $0x400, s20  }
0x34: {  	v2 =	vld.idx.msk [tilespmem:v0+s19+$0x10 ss:$0x1], $0xffff;
	[tilespmem:s20+$0x30] =	vst v7  }
0x35: {  	[tilespmem:s20+$0xFFFFFFC0] =	vst v8;
	v6 =	vld.idx.msk [tilespmem:v0+s19+$0x20 ss:$0x1], $0xffff;
	s19 =	sshra.s32 s21, $0x2;
	s21 =	sadd.s32 $0x200, s21  }
0x36: {  	_ =	sdelay $0x2  }
0x37: {  	[tilespmem:s20+$0xFFFFFFD0] =	vst v5  }
0x38: {  	v56 =	vld.idx.msk [tilespmem:v0+s19+$0x30 ss:$0x1], $0xffff;
	[tilespmem:s20+$0xFFFFFFE0] =	vst v4  }
0x39: {  	v57 =	vld.idx.msk [tilespmem:v0+s19+$0xFFFFFFC0 ss:$0x1], $0xffff;
	[tilespmem:s20+$0xFFFFFFF0] =	vst v3  }
0x3a: {  	v58 =	vld.idx.msk [tilespmem:v0+s19+$0xFFFFFFD0 ss:$0x1], $0xffff;
	[tilespmem:s20+$0x0] =	vst v1  }
0x3b: {  	v59 =	vld.idx.msk [tilespmem:v0+s19+$0xFFFFFFE0 ss:$0x1], $0xffff;
	[tilespmem:s20+$0x10] =	vst v2  }
0x3c: {  	v60 =	vld.idx.msk [tilespmem:v0+s19+$0xFFFFFFF0 ss:$0x1], $0xffff;
	s31 =	sadd.s32 $0x400, s20;
	[tilespmem:s20+$0x20] =	vst v6  }
0x3d: {  	v61 =	vld.idx.msk [tilespmem:v0+s19+$0x0 ss:$0x1], $0xffff;
	[tilespmem:s31+$0x30] =	vst v56  }
0x3e: {  	v62 =	vld.idx.msk [tilespmem:v0+s19+$0x10 ss:$0x1], $0xffff;
	s18 =	sadd.s32 $0x1, s18;
	[tilespmem:s31+$0xFFFFFFC0] =	vst v57  }
0x3f: {  	v63 =	vld.idx.msk [tilespmem:v0+s19+$0x20 ss:$0x1], $0xffff;
	p1 =	sne.s32 s18, $0x8;
	[tilespmem:s31+$0xFFFFFFD0] =	vst v58  }
.Ltmp4:
0x40: {  	[tilespmem:s31+$0xFFFFFFE0] =	vst v59;
	(pc) =	sbr.rel @p1 .LBB1_4-.Ltmp4, $4  }
0x41: {  	[tilespmem:s31+$0xFFFFFFF0] =	vst v60  }
0x42: {  	[tilespmem:s31+$0x0] =	vst v61  }
0x43: {  	[tilespmem:s31+$0x10] =	vst v62  }
0x44: {  	s16 =	sadd.s32 $0x80, s16;
	s17 =	sadd.s32 $0x400, s17;
	[tilespmem:s31+$0x20] =	vst v63  }
.Ltmp5:
0x45: {  	(pc) =	sbr.rel @p0 .LBB1_3-.Ltmp5, $2  }
0x46: {  	_ =	sdelay $0x2  }
0x47: {  	s16 =	simm.s32 $0x2000;
	p1 =	por $0x0, $0x0  }
.Ltmp6:
0x48: {  	(pc) =	sbr.rel .LBB1_9-.Ltmp6, $4  }
0x49: {  	_ = 	snop  }
0x4a: {  	s12 =	sshll.u32 s12, $0xA  }
0x4b: {  	s12 =	sadd.s32 s4, s12  }
0x4c: {  	[hbm4b:s12+s8] =	stream.linear.scatter [tilespmem:s13], [sflag:$0x2], $0x4000, $0x38;
	[tilespmem:$0x10000] =	vst v63  }
.LBB1_10:
0x4d: {  	_ =	sfence.sel $0x180000  }
0x4e: {  	s2 =	simm.s32 $0x1;
	[bflag:$0x0] =	sbarrier.arrive $0xFFFF  }
0x4f: {  	s31 =	simm.s32 $0x2;
	[sflag:s2] =	ssyncpa.u1 $0x1  }
0x50: {  	[sflag:s31] =	ssyncpa.u1 $0x1  }
0x51: {  	p0 =	sne.s32 s0, $0x0;
	_ =	strace $0x90000047  }
0x52: {  	s0 =	sadd.s32 @!p0 $0x100000, s1;
	[bflag:$0x2] =	sbarrier.arrive $0xFFFF  }
0x53: {  	[sflag:s0] =	ssyncadd.tile.s32 @!p0 $0x1;
	_ =	shalt  }
.Lfunc_end1:
_tile_overlayer_lowered:
.L_overlay_start_2:
0x54: {  	(tag) =	ssettag $0x2  }
0x55: {  	s0 =	rddreg [dreg:$0x0];
	s2 =	stileid.u32  }
0x56: {  	s1 =	rddreg [dreg:$0x1];
	p0 =	sne.s32 s2, $0x0  }
0x57: {  	s3 =	rddreg [dreg:$0x2];
	[bflag:$0x3] =	sbarrier.arrive $0xFFFF;
	s2 =	simm.s32 @!p0 $0x1C01  }
0x58: {  	[timem:s3], [sflag:s2] =	dma.local @!p0 [hbm:s0], s1  }
0x59: {  	s0 =	simm.s32 @!p0 $0x1  }
0x5a: {  	_ =	swait.ge @!p0 [sflag:s0], s1  }
0x5b: {  	s1 =	ssub.s32 @!p0 $0x0, s1;
	[sflag:s0] =	ssyncset.done @!p0 $0x0  }
0x5c: {  	[sflag:s0] =	ssyncadd.s32 @!p0 s1  }
0x5d: {  	[bflag:$0x3] =	sbarrier.arrive $0xFFFF  }
0x5e: {  	_ =	shalt  }

</sc_bundles>
